<compile_context>
chip_gen: v7x
topology: tpu7x:2x2x1
jax: 0.10.2.dev20260603
libtpu: 0.0.44.dev20260713+nightly
codegen_flags: <defaults>
</compile_context>

<pallas_src>
import functools

import jax
import jax.numpy as jnp
from jax import lax
from jax.experimental import pallas as pl
from jax.experimental.pallas import tpu as pltpu
from jax.experimental.pallas import tpu_sc as plsc

N_EDGES = 320000
D_FEAT = 128
LANES = 16
VREGS_PER_ROW = D_FEAT // LANES

_info = plsc.get_sparse_core_info()
NC = _info.num_cores
NS = _info.num_subcores
NW = NC * NS
ROWS_PER_W = N_EDGES // NW
CHUNK = 80
N_CHUNKS = ROWS_PER_W // CHUNK
NSETS = 3


def _sc_body(h_hbm, idx_hbm, out_hbm,
             i0, i1, i2, r0, r1, r2, s0, s1, s2, o0, o1, o2,
             is0, is1, is2, g0, g1, g2, q0, q1, q2, w0, w1, w2):
    wid = lax.axis_index("s") * NC + lax.axis_index("c")
    base_w = wid * ROWS_PER_W
    idxb = (i0, i1, i2)
    rows = (r0, r1, r2)
    seq = (s0, s1, s2)
    out = (o0, o1, o2)
    isem = (is0, is1, is2)
    gsem = (g0, g1, g2)
    qsem = (q0, q1, q2)
    wsem = (w0, w1, w2)

    def start_idx(ci, b):
        pltpu.async_copy(
            idx_hbm.at[pl.ds(base_w + ci * CHUNK, CHUNK)], idxb[b], isem[b])

    def wait_idx(b):
        pltpu.make_async_copy(
            idx_hbm.at[pl.ds(0, CHUNK)], idxb[b], isem[b]).wait()

    def start_loads(ci, b):
        off = base_w + ci * CHUNK
        pltpu.async_copy(h_hbm.at[idxb[b]], rows[b], gsem[b])
        pltpu.async_copy(h_hbm.at[pl.ds(off, CHUNK)], seq[b], qsem[b])

    def wait_loads(b):
        pltpu.make_async_copy(h_hbm.at[idxb[b]], rows[b], gsem[b]).wait()
        pltpu.make_async_copy(h_hbm.at[pl.ds(0, CHUNK)], seq[b], qsem[b]).wait()

    def wait_wb(b):
        pltpu.make_async_copy(out[b], out_hbm.at[pl.ds(0, CHUNK)],
                              wsem[b]).wait()

    def slot(i, b):
        i = jnp.int32(i)
        pb = (b + 2) % NSETS

        @pl.when(i + 2 < N_CHUNKS)
        def _():
            wait_idx(pb)
            start_loads(i + 2, pb)

        wait_loads(b)

        @pl.when(i + 3 < N_CHUNKS)
        def _():
            start_idx(i + 3, b)

        @pl.when(i >= NSETS)
        def _():
            wait_wb(b)

        def row_body(j, _):
            for l in range(VREGS_PER_ROW):
                sl = pl.ds(l * LANES, LANES)
                out[b][j, sl] = (rows[b][j, sl] + seq[b][j, sl]) * 0.5
            return 0

        lax.fori_loop(0, CHUNK, row_body, 0)
        pltpu.async_copy(
            out[b], out_hbm.at[pl.ds(base_w + i * CHUNK, CHUNK)], wsem[b])

    pltpu.sync_copy(idx_hbm.at[pl.ds(base_w, CHUNK)], i0)
    pltpu.sync_copy(idx_hbm.at[pl.ds(base_w + CHUNK, CHUNK)], i1)
    start_idx(2, 2)
    start_loads(0, 0)
    start_loads(1, 1)

    def triple(k, _):
        slot(3 * k, 0)
        slot(3 * k + 1, 1)
        slot(3 * k + 2, 2)
        return 0

    n_full = N_CHUNKS // NSETS
    lax.fori_loop(0, n_full, triple, 0)
    slot(N_CHUNKS - 2, 0)
    slot(N_CHUNKS - 1, 1)
    wait_wb(2)
    wait_wb(0)
    wait_wb(1)


@jax.jit
def _message_sym(H, rev_index):
    mesh = plsc.VectorSubcoreMesh(core_axis_name="c", subcore_axis_name="s")
    fn = functools.partial(
        pl.kernel,
        mesh=mesh,
        out_type=jax.ShapeDtypeStruct((N_EDGES, D_FEAT), jnp.float32),
        scratch_types=(
            [pltpu.VMEM((CHUNK,), jnp.int32)] * 3
            + [pltpu.VMEM((CHUNK, D_FEAT), jnp.float32)] * 9
            + [pltpu.SemaphoreType.DMA] * 12
        ),
    )(_sc_body)
    return fn(H, rev_index)


def kernel(H, V, E, rev_index):
    return _message_sym(H, rev_index.astype(jnp.int32))

# --- scband reference (transcript-rebuilt; emitter-appended) ---
"""Pipeline reference for scband-message-function-60103772340673 (READ-ONLY COPY).

The authoritative reference and input builder live on the scoring server;
editing this copy changes nothing except your own understanding.
"""

import jax, jax.numpy as jnp
import numpy as np

N_NODES = 10000
N_EDGES = 320000
D_FEAT = 128
D_EDGE = 16


def setup_inputs(seed: int = 0) -> dict:
    key = jax.random.key(seed)
    k1, k2, k3, k4 = jax.random.split(key, 4)
    H = jax.random.normal(k1, (N_EDGES, D_FEAT), dtype=jnp.float32)
    V = jax.random.normal(k2, (N_NODES, D_FEAT), dtype=jnp.float32)
    E = jax.random.normal(k3, (N_EDGES, D_EDGE), dtype=jnp.float32)
    rev_index = jax.random.randint(k4, (N_EDGES,), 0, N_EDGES, dtype=jnp.int64 if jax.config.read('jax_enable_x64') else jnp.int32)
    return {"H": H, "V": V, "E": E, "rev_index": rev_index}


def reference(H, V, E, rev_index):
    # MessageFunction.forward with directed=False:
    #   H = (H + H[rev_index]) / 2
    # then the concrete _forward; the base class's _forward is the identity
    # w.r.t. the edge hidden state (message is the symmetrized hidden state).
    H_rev = jnp.take(H, rev_index, axis=0)
    H_sym = (H + H_rev) / 2.0
    return H_sym

if __name__ == "__main__":
    import jax
    _d = setup_inputs()
    print(jax.jit(kernel)(*tuple(_d.values())))

</pallas_src>

<mosaic_0001>
#map = affine_map<(d0, d1) -> (0, 0)>
#map1 = affine_map<(d0, d1) -> (0)>
module attributes {stable_mosaic.version = 14 : i64} {
  func.func @_sc_body(%arg0: i32, %arg1: i32, %arg2: memref<320000x128xf32, #tpu.memory_space<hbm>>, %arg3: memref<320000xi32, #tpu.memory_space<hbm>>, %arg4: memref<320000x128xf32, #tpu.memory_space<hbm>>, %arg5: memref<80xi32, #tpu.memory_space<vmem>>, %arg6: memref<80xi32, #tpu.memory_space<vmem>>, %arg7: memref<80xi32, #tpu.memory_space<vmem>>, %arg8: memref<80x128xf32, #tpu.memory_space<vmem>>, %arg9: memref<80x128xf32, #tpu.memory_space<vmem>>, %arg10: memref<80x128xf32, #tpu.memory_space<vmem>>, %arg11: memref<80x128xf32, #tpu.memory_space<vmem>>, %arg12: memref<80x128xf32, #tpu.memory_space<vmem>>, %arg13: memref<80x128xf32, #tpu.memory_space<vmem>>, %arg14: memref<80x128xf32, #tpu.memory_space<vmem>>, %arg15: memref<80x128xf32, #tpu.memory_space<vmem>>, %arg16: memref<80x128xf32, #tpu.memory_space<vmem>>, %arg17: memref<!tpu.dma_semaphore, #tpu.memory_space<semaphore_mem>>, %arg18: memref<!tpu.dma_semaphore, #tpu.memory_space<semaphore_mem>>, %arg19: memref<!tpu.dma_semaphore, #tpu.memory_space<semaphore_mem>>, %arg20: memref<!tpu.dma_semaphore, #tpu.memory_space<semaphore_mem>>, %arg21: memref<!tpu.dma_semaphore, #tpu.memory_space<semaphore_mem>>, %arg22: memref<!tpu.dma_semaphore, #tpu.memory_space<semaphore_mem>>, %arg23: memref<!tpu.dma_semaphore, #tpu.memory_space<semaphore_mem>>, %arg24: memref<!tpu.dma_semaphore, #tpu.memory_space<semaphore_mem>>, %arg25: memref<!tpu.dma_semaphore, #tpu.memory_space<semaphore_mem>>, %arg26: memref<!tpu.dma_semaphore, #tpu.memory_space<semaphore_mem>>, %arg27: memref<!tpu.dma_semaphore, #tpu.memory_space<semaphore_mem>>, %arg28: memref<!tpu.dma_semaphore, #tpu.memory_space<semaphore_mem>>) attributes {dimension_semantics = [#tpu.dimension_semantics<core_parallel>, #tpu.dimension_semantics<subcore_parallel>], iteration_bounds = array<i64: 2, 16>, scalar_prefetch = 0 : i64, scratch_operands = 24 : i64, tpu.core_type = #tpu.core_type<sc_vector_subcore>, window_params = [{transform_indices = #map}, {transform_indices = #map1}, {transform_indices = #map}]} {
    %mul3A = arith.constant 2 : i32
    %mul3A_0 = arith.muli %arg1, %mul3A : i32
    %add3A = arith.addi %mul3A_0, %arg0 : i32
    %mul3A_1 = arith.constant 10000 : i32
    %mul3A_2 = arith.muli %add3A, %mul3A_1 : i32
    "tpu.region"() ({
      %run_scoped3A = tpu.sem_alloc : memref<!tpu.dma_semaphore, #tpu.memory_space<semaphore_mem>>
      %dma_start3A_141 = tpu.memref_slice %arg3[%mul3A_2] : memref<320000xi32, #tpu.memory_space<hbm>> -> memref<80xi32, #tpu.memory_space<hbm>>
      %dma_start3A_142 = tpu.memref_slice %arg3[%mul3A_2] : memref<320000xi32, #tpu.memory_space<hbm>> -> memref<80xi32, #tpu.memory_space<hbm>>
      tpu.enqueue_dma source(%dma_start3A_142 : memref<80xi32, #tpu.memory_space<hbm>>) target(%arg5 : memref<80xi32, #tpu.memory_space<vmem>>) target_semaphore(%run_scoped3A : memref<!tpu.dma_semaphore, #tpu.memory_space<semaphore_mem>>)
      %dma_wait3A_143 = tpu.memref_slice %arg3[%mul3A_2] : memref<320000xi32, #tpu.memory_space<hbm>> -> memref<80xi32, #tpu.memory_space<hbm>>
      %dma_wait3A_144 = tpu.memref_slice %arg3[%mul3A_2] : memref<320000xi32, #tpu.memory_space<hbm>> -> memref<80xi32, #tpu.memory_space<hbm>>
      tpu.wait_dma2 semaphore(%run_scoped3A : memref<!tpu.dma_semaphore, #tpu.memory_space<semaphore_mem>>) src(%dma_wait3A_144 : memref<80xi32, #tpu.memory_space<hbm>>) dst(%arg5 : memref<80xi32, #tpu.memory_space<vmem>>)
      tpu.yield
    }) : () -> ()
    %add3A_3 = arith.constant 80 : i32
    %add3A_4 = arith.addi %mul3A_2, %add3A_3 : i32
    "tpu.region"() ({
      %run_scoped3A = tpu.sem_alloc : memref<!tpu.dma_semaphore, #tpu.memory_space<semaphore_mem>>
      %dma_start3A_141 = tpu.memref_slice %arg3[%add3A_4] : memref<320000xi32, #tpu.memory_space<hbm>> -> memref<80xi32, #tpu.memory_space<hbm>>
      %dma_start3A_142 = tpu.memref_slice %arg3[%add3A_4] : memref<320000xi32, #tpu.memory_space<hbm>> -> memref<80xi32, #tpu.memory_space<hbm>>
      tpu.enqueue_dma source(%dma_start3A_142 : memref<80xi32, #tpu.memory_space<hbm>>) target(%arg6 : memref<80xi32, #tpu.memory_space<vmem>>) target_semaphore(%run_scoped3A : memref<!tpu.dma_semaphore, #tpu.memory_space<semaphore_mem>>)
      %dma_wait3A_143 = tpu.memref_slice %arg3[%add3A_4] : memref<320000xi32, #tpu.memory_space<hbm>> -> memref<80xi32, #tpu.memory_space<hbm>>
      %dma_wait3A_144 = tpu.memref_slice %arg3[%add3A_4] : memref<320000xi32, #tpu.memory_space<hbm>> -> memref<80xi32, #tpu.memory_space<hbm>>
      tpu.wait_dma2 semaphore(%run_scoped3A : memref<!tpu.dma_semaphore, #tpu.memory_space<semaphore_mem>>) src(%dma_wait3A_144 : memref<80xi32, #tpu.memory_space<hbm>>) dst(%arg6 : memref<80xi32, #tpu.memory_space<vmem>>)
      tpu.yield
    }) : () -> ()
    %add3A_5 = arith.constant 160 : i32
    %add3A_6 = arith.addi %mul3A_2, %add3A_5 : i32
    %dma_start3A = tpu.memref_slice %arg3[%add3A_6] : memref<320000xi32, #tpu.memory_space<hbm>> -> memref<80xi32, #tpu.memory_space<hbm>>
    %dma_start3A_7 = tpu.memref_slice %arg3[%add3A_6] : memref<320000xi32, #tpu.memory_space<hbm>> -> memref<80xi32, #tpu.memory_space<hbm>>
    tpu.enqueue_dma source(%dma_start3A_7 : memref<80xi32, #tpu.memory_space<hbm>>) target(%arg7 : memref<80xi32, #tpu.memory_space<vmem>>) target_semaphore(%arg19 : memref<!tpu.dma_semaphore, #tpu.memory_space<semaphore_mem>>)
    %add3A_8 = arith.constant 0 : i32
    %add3A_9 = arith.addi %mul3A_2, %add3A_8 : i32
    %dma_start3A_10 = arith.constant 0 : i32
    %dma_start3A_11 = arith.constant 0 : i32
    %dma_start3A_12 = tpu.memref_slice %arg2[%dma_start3A_10, %dma_start3A_11] : memref<320000x128xf32, #tpu.memory_space<hbm>> -> memref<320000x128xf32, #tpu.memory_space<hbm>>
    tpu.enqueue_indirect_dma source(%dma_start3A_12 : memref<320000x128xf32, #tpu.memory_space<hbm>>) target(%arg8 : memref<80x128xf32, #tpu.memory_space<vmem>>) offsets(%arg5 : memref<80xi32, #tpu.memory_space<vmem>>) semaphore(%arg20 : memref<!tpu.dma_semaphore, #tpu.memory_space<semaphore_mem>>)
    %dma_start3A_13 = arith.constant 0 : i32
    %dma_start3A_14 = tpu.memref_slice %arg2[%add3A_9, %dma_start3A_13] : memref<320000x128xf32, #tpu.memory_space<hbm>> -> memref<80x128xf32, #tpu.memory_space<hbm>>
    %dma_start3A_15 = arith.constant 0 : i32
    %dma_start3A_16 = tpu.memref_slice %arg2[%add3A_9, %dma_start3A_15] : memref<320000x128xf32, #tpu.memory_space<hbm>> -> memref<80x128xf32, #tpu.memory_space<hbm>>
    tpu.enqueue_dma source(%dma_start3A_16 : memref<80x128xf32, #tpu.memory_space<hbm>>) target(%arg11 : memref<80x128xf32, #tpu.memory_space<vmem>>) target_semaphore(%arg23 : memref<!tpu.dma_semaphore, #tpu.memory_space<semaphore_mem>>)
    %add3A_17 = arith.constant 80 : i32
    %add3A_18 = arith.addi %mul3A_2, %add3A_17 : i32
    %dma_start3A_19 = arith.constant 0 : i32
    %dma_start3A_20 = arith.constant 0 : i32
    %dma_start3A_21 = tpu.memref_slice %arg2[%dma_start3A_19, %dma_start3A_20] : memref<320000x128xf32, #tpu.memory_space<hbm>> -> memref<320000x128xf32, #tpu.memory_space<hbm>>
    tpu.enqueue_indirect_dma source(%dma_start3A_21 : memref<320000x128xf32, #tpu.memory_space<hbm>>) target(%arg9 : memref<80x128xf32, #tpu.memory_space<vmem>>) offsets(%arg6 : memref<80xi32, #tpu.memory_space<vmem>>) semaphore(%arg21 : memref<!tpu.dma_semaphore, #tpu.memory_space<semaphore_mem>>)
    %dma_start3A_22 = arith.constant 0 : i32
    %dma_start3A_23 = tpu.memref_slice %arg2[%add3A_18, %dma_start3A_22] : memref<320000x128xf32, #tpu.memory_space<hbm>> -> memref<80x128xf32, #tpu.memory_space<hbm>>
    %dma_start3A_24 = arith.constant 0 : i32
    %dma_start3A_25 = tpu.memref_slice %arg2[%add3A_18, %dma_start3A_24] : memref<320000x128xf32, #tpu.memory_space<hbm>> -> memref<80x128xf32, #tpu.memory_space<hbm>>
    tpu.enqueue_dma source(%dma_start3A_25 : memref<80x128xf32, #tpu.memory_space<hbm>>) target(%arg12 : memref<80x128xf32, #tpu.memory_space<vmem>>) target_semaphore(%arg24 : memref<!tpu.dma_semaphore, #tpu.memory_space<semaphore_mem>>)
    %scan3A = arith.constant 0 : i32
    %scan3A_26 = arith.constant 0 : i32
    %scan3A_27 = arith.constant 41 : i32
    %scan3A_28 = arith.addi %scan3A_26, %scan3A_27 : i32
    %scan3A_29 = arith.constant 1 : i32
    %scan3A_30 = scf.for %scan3A_141 = %scan3A_26 to %scan3A_28 step %scan3A_29 iter_args(%scan3A_142 = %scan3A) -> (i32)  : i32 {
      %mul3A_143 = arith.constant 3 : i32
      %mul3A_144 = arith.muli %mul3A_143, %scan3A_141 : i32
      %add3A_145 = arith.constant 2 : i32
      %add3A_146 = arith.addi %mul3A_144, %add3A_145 : i32
      %lt3A_147 = arith.constant 125 : i32
      %lt3A_148 = arith.cmpi slt, %add3A_146, %lt3A_147 : i32
      %convert_element_type3A_149 = arith.extui %lt3A_148 : i1 to i32
      %cond3A_150 = arith.constant 0 : i32
      %cond3A_151 = arith.cmpi ne, %convert_element_type3A_149, %cond3A_150 : i32
      scf.if %cond3A_151 {
        %dma_wait3A_280 = arith.constant 0 : i32
        %dma_wait3A_281 = tpu.memref_slice %arg3[%dma_wait3A_280] : memref<320000xi32, #tpu.memory_space<hbm>> -> memref<80xi32, #tpu.memory_space<hbm>>
        %dma_wait3A_282 = arith.constant 0 : i32
        %dma_wait3A_283 = tpu.memref_slice %arg3[%dma_wait3A_282] : memref<320000xi32, #tpu.memory_space<hbm>> -> memref<80xi32, #tpu.memory_space<hbm>>
        tpu.wait_dma2 semaphore(%arg19 : memref<!tpu.dma_semaphore, #tpu.memory_space<semaphore_mem>>) src(%dma_wait3A_283 : memref<80xi32, #tpu.memory_space<hbm>>) dst(%arg7 : memref<80xi32, #tpu.memory_space<vmem>>)
        %add3A_284 = arith.constant 2 : i32
        %add3A_285 = arith.addi %mul3A_144, %add3A_284 : i32
        %mul3A_286 = arith.constant 80 : i32
        %mul3A_287 = arith.muli %add3A_285, %mul3A_286 : i32
        %add3A_288 = arith.addi %mul3A_2, %mul3A_287 : i32
        %dma_start3A_289 = arith.constant 0 : i32
        %dma_start3A_290 = arith.constant 0 : i32
        %dma_start3A_291 = tpu.memref_slice %arg2[%dma_start3A_289, %dma_start3A_290] : memref<320000x128xf32, #tpu.memory_space<hbm>> -> memref<320000x128xf32, #tpu.memory_space<hbm>>
        tpu.enqueue_indirect_dma source(%dma_start3A_291 : memref<320000x128xf32, #tpu.memory_space<hbm>>) target(%arg10 : memref<80x128xf32, #tpu.memory_space<vmem>>) offsets(%arg7 : memref<80xi32, #tpu.memory_space<vmem>>) semaphore(%arg22 : memref<!tpu.dma_semaphore, #tpu.memory_space<semaphore_mem>>)
        %dma_start3A_292 = arith.constant 0 : i32
        %dma_start3A_293 = tpu.memref_slice %arg2[%add3A_288, %dma_start3A_292] : memref<320000x128xf32, #tpu.memory_space<hbm>> -> memref<80x128xf32, #tpu.memory_space<hbm>>
        %dma_start3A_294 = arith.constant 0 : i32
        %dma_start3A_295 = tpu.memref_slice %arg2[%add3A_288, %dma_start3A_294] : memref<320000x128xf32, #tpu.memory_space<hbm>> -> memref<80x128xf32, #tpu.memory_space<hbm>>
        tpu.enqueue_dma source(%dma_start3A_295 : memref<80x128xf32, #tpu.memory_space<hbm>>) target(%arg13 : memref<80x128xf32, #tpu.memory_space<vmem>>) target_semaphore(%arg25 : memref<!tpu.dma_semaphore, #tpu.memory_space<semaphore_mem>>)
      } else {
      }
      %dma_wait3A_152 = arith.constant 0 : i32
      %dma_wait3A_153 = arith.constant 0 : i32
      %dma_wait3A_154 = tpu.memref_slice %arg2[%dma_wait3A_152, %dma_wait3A_153] : memref<320000x128xf32, #tpu.memory_space<hbm>> -> memref<320000x128xf32, #tpu.memory_space<hbm>>
      tpu.wait_indirect_dma semaphore(%arg20 : memref<!tpu.dma_semaphore, #tpu.memory_space<semaphore_mem>>) src(%dma_wait3A_154 : memref<320000x128xf32, #tpu.memory_space<hbm>>) dst(%arg8 : memref<80x128xf32, #tpu.memory_space<vmem>>)
      %dma_wait3A_155 = arith.constant 0 : i32
      %dma_wait3A_156 = arith.constant 0 : i32
      %dma_wait3A_157 = tpu.memref_slice %arg2[%dma_wait3A_155, %dma_wait3A_156] : memref<320000x128xf32, #tpu.memory_space<hbm>> -> memref<80x128xf32, #tpu.memory_space<hbm>>
      %dma_wait3A_158 = arith.constant 0 : i32
      %dma_wait3A_159 = arith.constant 0 : i32
      %dma_wait3A_160 = tpu.memref_slice %arg2[%dma_wait3A_158, %dma_wait3A_159] : memref<320000x128xf32, #tpu.memory_space<hbm>> -> memref<80x128xf32, #tpu.memory_space<hbm>>
      tpu.wait_dma2 semaphore(%arg23 : memref<!tpu.dma_semaphore, #tpu.memory_space<semaphore_mem>>) src(%dma_wait3A_160 : memref<80x128xf32, #tpu.memory_space<hbm>>) dst(%arg11 : memref<80x128xf32, #tpu.memory_space<vmem>>)
      %add3A_161 = arith.constant 3 : i32
      %add3A_162 = arith.addi %mul3A_144, %add3A_161 : i32
      %lt3A_163 = arith.constant 125 : i32
      %lt3A_164 = arith.cmpi slt, %add3A_162, %lt3A_163 : i32
      %convert_element_type3A_165 = arith.extui %lt3A_164 : i1 to i32
      %cond3A_166 = arith.constant 0 : i32
      %cond3A_167 = arith.cmpi ne, %convert_element_type3A_165, %cond3A_166 : i32
      scf.if %cond3A_167 {
        %add3A_280 = arith.constant 3 : i32
        %add3A_281 = arith.addi %mul3A_144, %add3A_280 : i32
        %mul3A_282 = arith.constant 80 : i32
        %mul3A_283 = arith.muli %add3A_281, %mul3A_282 : i32
        %add3A_284 = arith.addi %mul3A_2, %mul3A_283 : i32
        %dma_start3A_285 = tpu.memref_slice %arg3[%add3A_284] : memref<320000xi32, #tpu.memory_space<hbm>> -> memref<80xi32, #tpu.memory_space<hbm>>
        %dma_start3A_286 = tpu.memref_slice %arg3[%add3A_284] : memref<320000xi32, #tpu.memory_space<hbm>> -> memref<80xi32, #tpu.memory_space<hbm>>
        tpu.enqueue_dma source(%dma_start3A_286 : memref<80xi32, #tpu.memory_space<hbm>>) target(%arg5 : memref<80xi32, #tpu.memory_space<vmem>>) target_semaphore(%arg17 : memref<!tpu.dma_semaphore, #tpu.memory_space<semaphore_mem>>)
      } else {
      }
      %ge3A_168 = arith.constant 3 : i32
      %ge3A_169 = arith.cmpi sge, %mul3A_144, %ge3A_168 : i32
      %convert_element_type3A_170 = arith.extui %ge3A_169 : i1 to i32
      %cond3A_171 = arith.constant 0 : i32
      %cond3A_172 = arith.cmpi ne, %convert_element_type3A_170, %cond3A_171 : i32
      scf.if %cond3A_172 {
        %dma_wait3A_280 = arith.constant 0 : i32
        %dma_wait3A_281 = arith.constant 0 : i32
        %dma_wait3A_282 = tpu.memref_slice %arg4[%dma_wait3A_280, %dma_wait3A_281] : memref<320000x128xf32, #tpu.memory_space<hbm>> -> memref<80x128xf32, #tpu.memory_space<hbm>>
        %dma_wait3A_283 = arith.constant 0 : i32
        %dma_wait3A_284 = arith.constant 0 : i32
        %dma_wait3A_285 = tpu.memref_slice %arg4[%dma_wait3A_283, %dma_wait3A_284] : memref<320000x128xf32, #tpu.memory_space<hbm>> -> memref<80x128xf32, #tpu.memory_space<hbm>>
        tpu.wait_dma2 semaphore(%arg26 : memref<!tpu.dma_semaphore, #tpu.memory_space<semaphore_mem>>) src(%arg14 : memref<80x128xf32, #tpu.memory_space<vmem>>) dst(%dma_wait3A_285 : memref<80x128xf32, #tpu.memory_space<hbm>>)
      } else {
      }
      %scan3A_173 = arith.constant 0 : i32
      %scan3A_174 = arith.constant 0 : i32
      %scan3A_175 = arith.constant 80 : i32
      %scan3A_176 = arith.addi %scan3A_174, %scan3A_175 : i32
      %scan3A_177 = arith.constant 1 : i32
      %scan3A_178 = scf.for %scan3A_280 = %scan3A_174 to %scan3A_176 step %scan3A_177 iter_args(%scan3A_281 = %scan3A_173) -> (i32)  : i32 {
        %get3A = arith.index_cast %scan3A_280 : i32 to index
        %get3A_282 = arith.constant 0 : index
        %get3A_283 = tpu.vector_load %arg8[%get3A, %get3A_282] {strides = array<i32>} : memref<80x128xf32, #tpu.memory_space<vmem>>, vector<1x16xf32>,
        %get3A_284 = vector.shape_cast %get3A_283 : vector<1x16xf32> to vector<16xf32>
        %get3A_285 = arith.index_cast %scan3A_280 : i32 to index
        %get3A_286 = arith.constant 0 : index
        %get3A_287 = tpu.vector_load %arg11[%get3A_285, %get3A_286] {strides = array<i32>} : memref<80x128xf32, #tpu.memory_space<vmem>>, vector<1x16xf32>,
        %get3A_288 = vector.shape_cast %get3A_287 : vector<1x16xf32> to vector<16xf32>
        %add3A_289 = arith.addf %get3A_284, %get3A_288 : vector<16xf32>
        %mul3A_290 = arith.constant 5.000000e-01 : f32
        %mul3A_291 = vector.broadcast %mul3A_290 : f32 to vector<16xf32>
        %mul3A_292 = arith.mulf %add3A_289, %mul3A_291 : vector<16xf32>
        %swap3A = arith.index_cast %scan3A_280 : i32 to index
        %swap3A_293 = arith.constant 0 : index
        %swap3A_294 = tpu.vector_load %arg14[%swap3A, %swap3A_293] {strides = array<i32>} : memref<80x128xf32, #tpu.memory_space<vmem>>, vector<1x16xf32>,
        %swap3A_295 = vector.shape_cast %swap3A_294 : vector<1x16xf32> to vector<16xf32>
        %swap3A_296 = vector.shape_cast %mul3A_292 : vector<16xf32> to vector<1x16xf32>
        tpu.vector_store %arg14[%swap3A, %swap3A_293], %swap3A_296 {strides = array<i32>} : memref<80x128xf32, #tpu.memory_space<vmem>>, vector<1x16xf32>,
        %get3A_297 = arith.index_cast %scan3A_280 : i32 to index
        %get3A_298 = arith.constant 16 : index
        %get3A_299 = tpu.vector_load %arg8[%get3A_297, %get3A_298] {strides = array<i32>} : memref<80x128xf32, #tpu.memory_space<vmem>>, vector<1x16xf32>,
        %get3A_300 = vector.shape_cast %get3A_299 : vector<1x16xf32> to vector<16xf32>
        %get3A_301 = arith.index_cast %scan3A_280 : i32 to index
        %get3A_302 = arith.constant 16 : index
        %get3A_303 = tpu.vector_load %arg11[%get3A_301, %get3A_302] {strides = array<i32>} : memref<80x128xf32, #tpu.memory_space<vmem>>, vector<1x16xf32>,
        %get3A_304 = vector.shape_cast %get3A_303 : vector<1x16xf32> to vector<16xf32>
        %add3A_305 = arith.addf %get3A_300, %get3A_304 : vector<16xf32>
        %mul3A_306 = arith.constant 5.000000e-01 : f32
        %mul3A_307 = vector.broadcast %mul3A_306 : f32 to vector<16xf32>
        %mul3A_308 = arith.mulf %add3A_305, %mul3A_307 : vector<16xf32>
        %swap3A_309 = arith.index_cast %scan3A_280 : i32 to index
        %swap3A_310 = arith.constant 16 : index
        %swap3A_311 = tpu.vector_load %arg14[%swap3A_309, %swap3A_310] {strides = array<i32>} : memref<80x128xf32, #tpu.memory_space<vmem>>, vector<1x16xf32>,
        %swap3A_312 = vector.shape_cast %swap3A_311 : vector<1x16xf32> to vector<16xf32>
        %swap3A_313 = vector.shape_cast %mul3A_308 : vector<16xf32> to vector<1x16xf32>
        tpu.vector_store %arg14[%swap3A_309, %swap3A_310], %swap3A_313 {strides = array<i32>} : memref<80x128xf32, #tpu.memory_space<vmem>>, vector<1x16xf32>,
        %get3A_314 = arith.index_cast %scan3A_280 : i32 to index
        %get3A_315 = arith.constant 32 : index
        %get3A_316 = tpu.vector_load %arg8[%get3A_314, %get3A_315] {strides = array<i32>} : memref<80x128xf32, #tpu.memory_space<vmem>>, vector<1x16xf32>,
        %get3A_317 = vector.shape_cast %get3A_316 : vector<1x16xf32> to vector<16xf32>
        %get3A_318 = arith.index_cast %scan3A_280 : i32 to index
        %get3A_319 = arith.constant 32 : index
        %get3A_320 = tpu.vector_load %arg11[%get3A_318, %get3A_319] {strides = array<i32>} : memref<80x128xf32, #tpu.memory_space<vmem>>, vector<1x16xf32>,
        %get3A_321 = vector.shape_cast %get3A_320 : vector<1x16xf32> to vector<16xf32>
        %add3A_322 = arith.addf %get3A_317, %get3A_321 : vector<16xf32>
        %mul3A_323 = arith.constant 5.000000e-01 : f32
        %mul3A_324 = vector.broadcast %mul3A_323 : f32 to vector<16xf32>
        %mul3A_325 = arith.mulf %add3A_322, %mul3A_324 : vector<16xf32>
        %swap3A_326 = arith.index_cast %scan3A_280 : i32 to index
        %swap3A_327 = arith.constant 32 : index
        %swap3A_328 = tpu.vector_load %arg14[%swap3A_326, %swap3A_327] {strides = array<i32>} : memref<80x128xf32, #tpu.memory_space<vmem>>, vector<1x16xf32>,
        %swap3A_329 = vector.shape_cast %swap3A_328 : vector<1x16xf32> to vector<16xf32>
        %swap3A_330 = vector.shape_cast %mul3A_325 : vector<16xf32> to vector<1x16xf32>
        tpu.vector_store %arg14[%swap3A_326, %swap3A_327], %swap3A_330 {strides = array<i32>} : memref<80x128xf32, #tpu.memory_space<vmem>>, vector<1x16xf32>,
        %get3A_331 = arith.index_cast %scan3A_280 : i32 to index
        %get3A_332 = arith.constant 48 : index
        %get3A_333 = tpu.vector_load %arg8[%get3A_331, %get3A_332] {strides = array<i32>} : memref<80x128xf32, #tpu.memory_space<vmem>>, vector<1x16xf32>,
        %get3A_334 = vector.shape_cast %get3A_333 : vector<1x16xf32> to vector<16xf32>
        %get3A_335 = arith.index_cast %scan3A_280 : i32 to index
        %get3A_336 = arith.constant 48 : index
        %get3A_337 = tpu.vector_load %arg11[%get3A_335, %get3A_336] {strides = array<i32>} : memref<80x128xf32, #tpu.memory_space<vmem>>, vector<1x16xf32>,
        %get3A_338 = vector.shape_cast %get3A_337 : vector<1x16xf32> to vector<16xf32>
        %add3A_339 = arith.addf %get3A_334, %get3A_338 : vector<16xf32>
        %mul3A_340 = arith.constant 5.000000e-01 : f32
        %mul3A_341 = vector.broadcast %mul3A_340 : f32 to vector<16xf32>
        %mul3A_342 = arith.mulf %add3A_339, %mul3A_341 : vector<16xf32>
        %swap3A_343 = arith.index_cast %scan3A_280 : i32 to index
        %swap3A_344 = arith.constant 48 : index
        %swap3A_345 = tpu.vector_load %arg14[%swap3A_343, %swap3A_344] {strides = array<i32>} : memref<80x128xf32, #tpu.memory_space<vmem>>, vector<1x16xf32>,
        %swap3A_346 = vector.shape_cast %swap3A_345 : vector<1x16xf32> to vector<16xf32>
        %swap3A_347 = vector.shape_cast %mul3A_342 : vector<16xf32> to vector<1x16xf32>
        tpu.vector_store %arg14[%swap3A_343, %swap3A_344], %swap3A_347 {strides = array<i32>} : memref<80x128xf32, #tpu.memory_space<vmem>>, vector<1x16xf32>,
        %get3A_348 = arith.index_cast %scan3A_280 : i32 to index
        %get3A_349 = arith.constant 64 : index
        %get3A_350 = tpu.vector_load %arg8[%get3A_348, %get3A_349] {strides = array<i32>} : memref<80x128xf32, #tpu.memory_space<vmem>>, vector<1x16xf32>,
        %get3A_351 = vector.shape_cast %get3A_350 : vector<1x16xf32> to vector<16xf32>
        %get3A_352 = arith.index_cast %scan3A_280 : i32 to index
        %get3A_353 = arith.constant 64 : index
        %get3A_354 = tpu.vector_load %arg11[%get3A_352, %get3A_353] {strides = array<i32>} : memref<80x128xf32, #tpu.memory_space<vmem>>, vector<1x16xf32>,
        %get3A_355 = vector.shape_cast %get3A_354 : vector<1x16xf32> to vector<16xf32>
        %add3A_356 = arith.addf %get3A_351, %get3A_355 : vector<16xf32>
        %mul3A_357 = arith.constant 5.000000e-01 : f32
        %mul3A_358 = vector.broadcast %mul3A_357 : f32 to vector<16xf32>
        %mul3A_359 = arith.mulf %add3A_356, %mul3A_358 : vector<16xf32>
        %swap3A_360 = arith.index_cast %scan3A_280 : i32 to index
        %swap3A_361 = arith.constant 64 : index
        %swap3A_362 = tpu.vector_load %arg14[%swap3A_360, %swap3A_361] {strides = array<i32>} : memref<80x128xf32, #tpu.memory_space<vmem>>, vector<1x16xf32>,
        %swap3A_363 = vector.shape_cast %swap3A_362 : vector<1x16xf32> to vector<16xf32>
        %swap3A_364 = vector.shape_cast %mul3A_359 : vector<16xf32> to vector<1x16xf32>
        tpu.vector_store %arg14[%swap3A_360, %swap3A_361], %swap3A_364 {strides = array<i32>} : memref<80x128xf32, #tpu.memory_space<vmem>>, vector<1x16xf32>,
        %get3A_365 = arith.index_cast %scan3A_280 : i32 to index
        %get3A_366 = arith.constant 80 : index
        %get3A_367 = tpu.vector_load %arg8[%get3A_365, %get3A_366] {strides = array<i32>} : memref<80x128xf32, #tpu.memory_space<vmem>>, vector<1x16xf32>,
        %get3A_368 = vector.shape_cast %get3A_367 : vector<1x16xf32> to vector<16xf32>
        %get3A_369 = arith.index_cast %scan3A_280 : i32 to index
        %get3A_370 = arith.constant 80 : index
        %get3A_371 = tpu.vector_load %arg11[%get3A_369, %get3A_370] {strides = array<i32>} : memref<80x128xf32, #tpu.memory_space<vmem>>, vector<1x16xf32>,
        %get3A_372 = vector.shape_cast %get3A_371 : vector<1x16xf32> to vector<16xf32>
        %add3A_373 = arith.addf %get3A_368, %get3A_372 : vector<16xf32>
        %mul3A_374 = arith.constant 5.000000e-01 : f32
        %mul3A_375 = vector.broadcast %mul3A_374 : f32 to vector<16xf32>
        %mul3A_376 = arith.mulf %add3A_373, %mul3A_375 : vector<16xf32>
        %swap3A_377 = arith.index_cast %scan3A_280 : i32 to index
        %swap3A_378 = arith.constant 80 : index
        %swap3A_379 = tpu.vector_load %arg14[%swap3A_377, %swap3A_378] {strides = array<i32>} : memref<80x128xf32, #tpu.memory_space<vmem>>, vector<1x16xf32>,
        %swap3A_380 = vector.shape_cast %swap3A_379 : vector<1x16xf32> to vector<16xf32>
        %swap3A_381 = vector.shape_cast %mul3A_376 : vector<16xf32> to vector<1x16xf32>
        tpu.vector_store %arg14[%swap3A_377, %swap3A_378], %swap3A_381 {strides = array<i32>} : memref<80x128xf32, #tpu.memory_space<vmem>>, vector<1x16xf32>,
        %get3A_382 = arith.index_cast %scan3A_280 : i32 to index
        %get3A_383 = arith.constant 96 : index
        %get3A_384 = tpu.vector_load %arg8[%get3A_382, %get3A_383] {strides = array<i32>} : memref<80x128xf32, #tpu.memory_space<vmem>>, vector<1x16xf32>,
        %get3A_385 = vector.shape_cast %get3A_384 : vector<1x16xf32> to vector<16xf32>
        %get3A_386 = arith.index_cast %scan3A_280 : i32 to index
        %get3A_387 = arith.constant 96 : index
        %get3A_388 = tpu.vector_load %arg11[%get3A_386, %get3A_387] {strides = array<i32>} : memref<80x128xf32, #tpu.memory_space<vmem>>, vector<1x16xf32>,
        %get3A_389 = vector.shape_cast %get3A_388 : vector<1x16xf32> to vector<16xf32>
        %add3A_390 = arith.addf %get3A_385, %get3A_389 : vector<16xf32>
        %mul3A_391 = arith.constant 5.000000e-01 : f32
        %mul3A_392 = vector.broadcast %mul3A_391 : f32 to vector<16xf32>
        %mul3A_393 = arith.mulf %add3A_390, %mul3A_392 : vector<16xf32>
        %swap3A_394 = arith.index_cast %scan3A_280 : i32 to index
        %swap3A_395 = arith.constant 96 : index
        %swap3A_396 = tpu.vector_load %arg14[%swap3A_394, %swap3A_395] {strides = array<i32>} : memref<80x128xf32, #tpu.memory_space<vmem>>, vector<1x16xf32>,
        %swap3A_397 = vector.shape_cast %swap3A_396 : vector<1x16xf32> to vector<16xf32>
        %swap3A_398 = vector.shape_cast %mul3A_393 : vector<16xf32> to vector<1x16xf32>
        tpu.vector_store %arg14[%swap3A_394, %swap3A_395], %swap3A_398 {strides = array<i32>} : memref<80x128xf32, #tpu.memory_space<vmem>>, vector<1x16xf32>,
        %get3A_399 = arith.index_cast %scan3A_280 : i32 to index
        %get3A_400 = arith.constant 112 : index
        %get3A_401 = tpu.vector_load %arg8[%get3A_399, %get3A_400] {strides = array<i32>} : memref<80x128xf32, #tpu.memory_space<vmem>>, vector<1x16xf32>,
        %get3A_402 = vector.shape_cast %get3A_401 : vector<1x16xf32> to vector<16xf32>
        %get3A_403 = arith.index_cast %scan3A_280 : i32 to index
        %get3A_404 = arith.constant 112 : index
        %get3A_405 = tpu.vector_load %arg11[%get3A_403, %get3A_404] {strides = array<i32>} : memref<80x128xf32, #tpu.memory_space<vmem>>, vector<1x16xf32>,
        %get3A_406 = vector.shape_cast %get3A_405 : vector<1x16xf32> to vector<16xf32>
        %add3A_407 = arith.addf %get3A_402, %get3A_406 : vector<16xf32>
        %mul3A_408 = arith.constant 5.000000e-01 : f32
        %mul3A_409 = vector.broadcast %mul3A_408 : f32 to vector<16xf32>
        %mul3A_410 = arith.mulf %add3A_407, %mul3A_409 : vector<16xf32>
        %swap3A_411 = arith.index_cast %scan3A_280 : i32 to index
        %swap3A_412 = arith.constant 112 : index
        %swap3A_413 = tpu.vector_load %arg14[%swap3A_411, %swap3A_412] {strides = array<i32>} : memref<80x128xf32, #tpu.memory_space<vmem>>, vector<1x16xf32>,
        %swap3A_414 = vector.shape_cast %swap3A_413 : vector<1x16xf32> to vector<16xf32>
        %swap3A_415 = vector.shape_cast %mul3A_410 : vector<16xf32> to vector<1x16xf32>
        tpu.vector_store %arg14[%swap3A_411, %swap3A_412], %swap3A_415 {strides = array<i32>} : memref<80x128xf32, #tpu.memory_space<vmem>>, vector<1x16xf32>,
        %scan3A_416 = arith.constant 0 : i32
        scf.yield %scan3A_416 : i32
      }
      %scan3A_179 = arith.constant 80 : i32
      %mul3A_180 = arith.constant 80 : i32
      %mul3A_181 = arith.muli %mul3A_144, %mul3A_180 : i32
      %add3A_182 = arith.addi %mul3A_2, %mul3A_181 : i32
      %dma_start3A_183 = arith.constant 0 : i32
      %dma_start3A_184 = tpu.memref_slice %arg4[%add3A_182, %dma_start3A_183] : memref<320000x128xf32, #tpu.memory_space<hbm>> -> memref<80x128xf32, #tpu.memory_space<hbm>>
      %dma_start3A_185 = arith.constant 0 : i32
      %dma_start3A_186 = tpu.memref_slice %arg4[%add3A_182, %dma_start3A_185] : memref<320000x128xf32, #tpu.memory_space<hbm>> -> memref<80x128xf32, #tpu.memory_space<hbm>>
      tpu.enqueue_dma source(%arg14 : memref<80x128xf32, #tpu.memory_space<vmem>>) target(%dma_start3A_186 : memref<80x128xf32, #tpu.memory_space<hbm>>) target_semaphore(%arg26 : memref<!tpu.dma_semaphore, #tpu.memory_space<semaphore_mem>>)
      %mul3A_187 = arith.constant 3 : i32
      %mul3A_188 = arith.muli %mul3A_187, %scan3A_141 : i32
      %add3A_189 = arith.constant 1 : i32
      %add3A_190 = arith.addi %mul3A_188, %add3A_189 : i32
      %add3A_191 = arith.constant 2 : i32
      %add3A_192 = arith.addi %add3A_190, %add3A_191 : i32
      %lt3A_193 = arith.constant 125 : i32
      %lt3A_194 = arith.cmpi slt, %add3A_192, %lt3A_193 : i32
      %convert_element_type3A_195 = arith.extui %lt3A_194 : i1 to i32
      %cond3A_196 = arith.constant 0 : i32
      %cond3A_197 = arith.cmpi ne, %convert_element_type3A_195, %cond3A_196 : i32
      scf.if %cond3A_197 {
        %dma_wait3A_280 = arith.constant 0 : i32
        %dma_wait3A_281 = tpu.memref_slice %arg3[%dma_wait3A_280] : memref<320000xi32, #tpu.memory_space<hbm>> -> memref<80xi32, #tpu.memory_space<hbm>>
        %dma_wait3A_282 = arith.constant 0 : i32
        %dma_wait3A_283 = tpu.memref_slice %arg3[%dma_wait3A_282] : memref<320000xi32, #tpu.memory_space<hbm>> -> memref<80xi32, #tpu.memory_space<hbm>>
        tpu.wait_dma2 semaphore(%arg17 : memref<!tpu.dma_semaphore, #tpu.memory_space<semaphore_mem>>) src(%dma_wait3A_283 : memref<80xi32, #tpu.memory_space<hbm>>) dst(%arg5 : memref<80xi32, #tpu.memory_space<vmem>>)
        %add3A_284 = arith.constant 2 : i32
        %add3A_285 = arith.addi %add3A_190, %add3A_284 : i32
        %mul3A_286 = arith.constant 80 : i32
        %mul3A_287 = arith.muli %add3A_285, %mul3A_286 : i32
        %add3A_288 = arith.addi %mul3A_2, %mul3A_287 : i32
        %dma_start3A_289 = arith.constant 0 : i32
        %dma_start3A_290 = arith.constant 0 : i32
        %dma_start3A_291 = tpu.memref_slice %arg2[%dma_start3A_289, %dma_start3A_290] : memref<320000x128xf32, #tpu.memory_space<hbm>> -> memref<320000x128xf32, #tpu.memory_space<hbm>>
        tpu.enqueue_indirect_dma source(%dma_start3A_291 : memref<320000x128xf32, #tpu.memory_space<hbm>>) target(%arg8 : memref<80x128xf32, #tpu.memory_space<vmem>>) offsets(%arg5 : memref<80xi32, #tpu.memory_space<vmem>>) semaphore(%arg20 : memref<!tpu.dma_semaphore, #tpu.memory_space<semaphore_mem>>)
        %dma_start3A_292 = arith.constant 0 : i32
        %dma_start3A_293 = tpu.memref_slice %arg2[%add3A_288, %dma_start3A_292] : memref<320000x128xf32, #tpu.memory_space<hbm>> -> memref<80x128xf32, #tpu.memory_space<hbm>>
        %dma_start3A_294 = arith.constant 0 : i32
        %dma_start3A_295 = tpu.memref_slice %arg2[%add3A_288, %dma_start3A_294] : memref<320000x128xf32, #tpu.memory_space<hbm>> -> memref<80x128xf32, #tpu.memory_space<hbm>>
        tpu.enqueue_dma source(%dma_start3A_295 : memref<80x128xf32, #tpu.memory_space<hbm>>) target(%arg11 : memref<80x128xf32, #tpu.memory_space<vmem>>) target_semaphore(%arg23 : memref<!tpu.dma_semaphore, #tpu.memory_space<semaphore_mem>>)
      } else {
      }
      %dma_wait3A_198 = arith.constant 0 : i32
      %dma_wait3A_199 = arith.constant 0 : i32
      %dma_wait3A_200 = tpu.memref_slice %arg2[%dma_wait3A_198, %dma_wait3A_199] : memref<320000x128xf32, #tpu.memory_space<hbm>> -> memref<320000x128xf32, #tpu.memory_space<hbm>>
      tpu.wait_indirect_dma semaphore(%arg21 : memref<!tpu.dma_semaphore, #tpu.memory_space<semaphore_mem>>) src(%dma_wait3A_200 : memref<320000x128xf32, #tpu.memory_space<hbm>>) dst(%arg9 : memref<80x128xf32, #tpu.memory_space<vmem>>)
      %dma_wait3A_201 = arith.constant 0 : i32
      %dma_wait3A_202 = arith.constant 0 : i32
      %dma_wait3A_203 = tpu.memref_slice %arg2[%dma_wait3A_201, %dma_wait3A_202] : memref<320000x128xf32, #tpu.memory_space<hbm>> -> memref<80x128xf32, #tpu.memory_space<hbm>>
      %dma_wait3A_204 = arith.constant 0 : i32
      %dma_wait3A_205 = arith.constant 0 : i32
      %dma_wait3A_206 = tpu.memref_slice %arg2[%dma_wait3A_204, %dma_wait3A_205] : memref<320000x128xf32, #tpu.memory_space<hbm>> -> memref<80x128xf32, #tpu.memory_space<hbm>>
      tpu.wait_dma2 semaphore(%arg24 : memref<!tpu.dma_semaphore, #tpu.memory_space<semaphore_mem>>) src(%dma_wait3A_206 : memref<80x128xf32, #tpu.memory_space<hbm>>) dst(%arg12 : memref<80x128xf32, #tpu.memory_space<vmem>>)
      %add3A_207 = arith.constant 3 : i32
      %add3A_208 = arith.addi %add3A_190, %add3A_207 : i32
      %lt3A_209 = arith.constant 125 : i32
      %lt3A_210 = arith.cmpi slt, %add3A_208, %lt3A_209 : i32
      %convert_element_type3A_211 = arith.extui %lt3A_210 : i1 to i32
      %cond3A_212 = arith.constant 0 : i32
      %cond3A_213 = arith.cmpi ne, %convert_element_type3A_211, %cond3A_212 : i32
      scf.if %cond3A_213 {
        %add3A_280 = arith.constant 3 : i32
        %add3A_281 = arith.addi %add3A_190, %add3A_280 : i32
        %mul3A_282 = arith.constant 80 : i32
        %mul3A_283 = arith.muli %add3A_281, %mul3A_282 : i32
        %add3A_284 = arith.addi %mul3A_2, %mul3A_283 : i32
        %dma_start3A_285 = tpu.memref_slice %arg3[%add3A_284] : memref<320000xi32, #tpu.memory_space<hbm>> -> memref<80xi32, #tpu.memory_space<hbm>>
        %dma_start3A_286 = tpu.memref_slice %arg3[%add3A_284] : memref<320000xi32, #tpu.memory_space<hbm>> -> memref<80xi32, #tpu.memory_space<hbm>>
        tpu.enqueue_dma source(%dma_start3A_286 : memref<80xi32, #tpu.memory_space<hbm>>) target(%arg6 : memref<80xi32, #tpu.memory_space<vmem>>) target_semaphore(%arg18 : memref<!tpu.dma_semaphore, #tpu.memory_space<semaphore_mem>>)
      } else {
      }
      %ge3A_214 = arith.constant 3 : i32
      %ge3A_215 = arith.cmpi sge, %add3A_190, %ge3A_214 : i32
      %convert_element_type3A_216 = arith.extui %ge3A_215 : i1 to i32
      %cond3A_217 = arith.constant 0 : i32
      %cond3A_218 = arith.cmpi ne, %convert_element_type3A_216, %cond3A_217 : i32
      scf.if %cond3A_218 {
        %dma_wait3A_280 = arith.constant 0 : i32
        %dma_wait3A_281 = arith.constant 0 : i32
        %dma_wait3A_282 = tpu.memref_slice %arg4[%dma_wait3A_280, %dma_wait3A_281] : memref<320000x128xf32, #tpu.memory_space<hbm>> -> memref<80x128xf32, #tpu.memory_space<hbm>>
        %dma_wait3A_283 = arith.constant 0 : i32
        %dma_wait3A_284 = arith.constant 0 : i32
        %dma_wait3A_285 = tpu.memref_slice %arg4[%dma_wait3A_283, %dma_wait3A_284] : memref<320000x128xf32, #tpu.memory_space<hbm>> -> memref<80x128xf32, #tpu.memory_space<hbm>>
        tpu.wait_dma2 semaphore(%arg27 : memref<!tpu.dma_semaphore, #tpu.memory_space<semaphore_mem>>) src(%arg15 : memref<80x128xf32, #tpu.memory_space<vmem>>) dst(%dma_wait3A_285 : memref<80x128xf32, #tpu.memory_space<hbm>>)
      } else {
      }
      %scan3A_219 = arith.constant 0 : i32
      %scan3A_220 = arith.constant 0 : i32
      %scan3A_221 = arith.constant 80 : i32
      %scan3A_222 = arith.addi %scan3A_220, %scan3A_221 : i32
      %scan3A_223 = arith.constant 1 : i32
      %scan3A_224 = scf.for %scan3A_280 = %scan3A_220 to %scan3A_222 step %scan3A_223 iter_args(%scan3A_281 = %scan3A_219) -> (i32)  : i32 {
        %get3A = arith.index_cast %scan3A_280 : i32 to index
        %get3A_282 = arith.constant 0 : index
        %get3A_283 = tpu.vector_load %arg9[%get3A, %get3A_282] {strides = array<i32>} : memref<80x128xf32, #tpu.memory_space<vmem>>, vector<1x16xf32>,
        %get3A_284 = vector.shape_cast %get3A_283 : vector<1x16xf32> to vector<16xf32>
        %get3A_285 = arith.index_cast %scan3A_280 : i32 to index
        %get3A_286 = arith.constant 0 : index
        %get3A_287 = tpu.vector_load %arg12[%get3A_285, %get3A_286] {strides = array<i32>} : memref<80x128xf32, #tpu.memory_space<vmem>>, vector<1x16xf32>,
        %get3A_288 = vector.shape_cast %get3A_287 : vector<1x16xf32> to vector<16xf32>
        %add3A_289 = arith.addf %get3A_284, %get3A_288 : vector<16xf32>
        %mul3A_290 = arith.constant 5.000000e-01 : f32
        %mul3A_291 = vector.broadcast %mul3A_290 : f32 to vector<16xf32>
        %mul3A_292 = arith.mulf %add3A_289, %mul3A_291 : vector<16xf32>
        %swap3A = arith.index_cast %scan3A_280 : i32 to index
        %swap3A_293 = arith.constant 0 : index
        %swap3A_294 = tpu.vector_load %arg15[%swap3A, %swap3A_293] {strides = array<i32>} : memref<80x128xf32, #tpu.memory_space<vmem>>, vector<1x16xf32>,
        %swap3A_295 = vector.shape_cast %swap3A_294 : vector<1x16xf32> to vector<16xf32>
        %swap3A_296 = vector.shape_cast %mul3A_292 : vector<16xf32> to vector<1x16xf32>
        tpu.vector_store %arg15[%swap3A, %swap3A_293], %swap3A_296 {strides = array<i32>} : memref<80x128xf32, #tpu.memory_space<vmem>>, vector<1x16xf32>,
        %get3A_297 = arith.index_cast %scan3A_280 : i32 to index
        %get3A_298 = arith.constant 16 : index
        %get3A_299 = tpu.vector_load %arg9[%get3A_297, %get3A_298] {strides = array<i32>} : memref<80x128xf32, #tpu.memory_space<vmem>>, vector<1x16xf32>,
        %get3A_300 = vector.shape_cast %get3A_299 : vector<1x16xf32> to vector<16xf32>
        %get3A_301 = arith.index_cast %scan3A_280 : i32 to index
        %get3A_302 = arith.constant 16 : index
        %get3A_303 = tpu.vector_load %arg12[%get3A_301, %get3A_302] {strides = array<i32>} : memref<80x128xf32, #tpu.memory_space<vmem>>, vector<1x16xf32>,
        %get3A_304 = vector.shape_cast %get3A_303 : vector<1x16xf32> to vector<16xf32>
        %add3A_305 = arith.addf %get3A_300, %get3A_304 : vector<16xf32>
        %mul3A_306 = arith.constant 5.000000e-01 : f32
        %mul3A_307 = vector.broadcast %mul3A_306 : f32 to vector<16xf32>
        %mul3A_308 = arith.mulf %add3A_305, %mul3A_307 : vector<16xf32>
        %swap3A_309 = arith.index_cast %scan3A_280 : i32 to index
        %swap3A_310 = arith.constant 16 : index
        %swap3A_311 = tpu.vector_load %arg15[%swap3A_309, %swap3A_310] {strides = array<i32>} : memref<80x128xf32, #tpu.memory_space<vmem>>, vector<1x16xf32>,
        %swap3A_312 = vector.shape_cast %swap3A_311 : vector<1x16xf32> to vector<16xf32>
        %swap3A_313 = vector.shape_cast %mul3A_308 : vector<16xf32> to vector<1x16xf32>
        tpu.vector_store %arg15[%swap3A_309, %swap3A_310], %swap3A_313 {strides = array<i32>} : memref<80x128xf32, #tpu.memory_space<vmem>>, vector<1x16xf32>,
        %get3A_314 = arith.index_cast %scan3A_280 : i32 to index
        %get3A_315 = arith.constant 32 : index
        %get3A_316 = tpu.vector_load %arg9[%get3A_314, %get3A_315] {strides = array<i32>} : memref<80x128xf32, #tpu.memory_space<vmem>>, vector<1x16xf32>,
        %get3A_317 = vector.shape_cast %get3A_316 : vector<1x16xf32> to vector<16xf32>
        %get3A_318 = arith.index_cast %scan3A_280 : i32 to index
        %get3A_319 = arith.constant 32 : index
        %get3A_320 = tpu.vector_load %arg12[%get3A_318, %get3A_319] {strides = array<i32>} : memref<80x128xf32, #tpu.memory_space<vmem>>, vector<1x16xf32>,
        %get3A_321 = vector.shape_cast %get3A_320 : vector<1x16xf32> to vector<16xf32>
        %add3A_322 = arith.addf %get3A_317, %get3A_321 : vector<16xf32>
        %mul3A_323 = arith.constant 5.000000e-01 : f32
        %mul3A_324 = vector.broadcast %mul3A_323 : f32 to vector<16xf32>
        %mul3A_325 = arith.mulf %add3A_322, %mul3A_324 : vector<16xf32>
        %swap3A_326 = arith.index_cast %scan3A_280 : i32 to index
        %swap3A_327 = arith.constant 32 : index
        %swap3A_328 = tpu.vector_load %arg15[%swap3A_326, %swap3A_327] {strides = array<i32>} : memref<80x128xf32, #tpu.memory_space<vmem>>, vector<1x16xf32>,
        %swap3A_329 = vector.shape_cast %swap3A_328 : vector<1x16xf32> to vector<16xf32>
        %swap3A_330 = vector.shape_cast %mul3A_325 : vector<16xf32> to vector<1x16xf32>
        tpu.vector_store %arg15[%swap3A_326, %swap3A_327], %swap3A_330 {strides = array<i32>} : memref<80x128xf32, #tpu.memory_space<vmem>>, vector<1x16xf32>,
        %get3A_331 = arith.index_cast %scan3A_280 : i32 to index
        %get3A_332 = arith.constant 48 : index
        %get3A_333 = tpu.vector_load %arg9[%get3A_331, %get3A_332] {strides = array<i32>} : memref<80x128xf32, #tpu.memory_space<vmem>>, vector<1x16xf32>,
        %get3A_334 = vector.shape_cast %get3A_333 : vector<1x16xf32> to vector<16xf32>
        %get3A_335 = arith.index_cast %scan3A_280 : i32 to index
        %get3A_336 = arith.constant 48 : index
        %get3A_337 = tpu.vector_load %arg12[%get3A_335, %get3A_336] {strides = array<i32>} : memref<80x128xf32, #tpu.memory_space<vmem>>, vector<1x16xf32>,
        %get3A_338 = vector.shape_cast %get3A_337 : vector<1x16xf32> to vector<16xf32>
        %add3A_339 = arith.addf %get3A_334, %get3A_338 : vector<16xf32>
        %mul3A_340 = arith.constant 5.000000e-01 : f32
        %mul3A_341 = vector.broadcast %mul3A_340 : f32 to vector<16xf32>
        %mul3A_342 = arith.mulf %add3A_339, %mul3A_341 : vector<16xf32>
        %swap3A_343 = arith.index_cast %scan3A_280 : i32 to index
        %swap3A_344 = arith.constant 48 : index
        %swap3A_345 = tpu.vector_load %arg15[%swap3A_343, %swap3A_344] {strides = array<i32>} : memref<80x128xf32, #tpu.memory_space<vmem>>, vector<1x16xf32>,
        %swap3A_346 = vector.shape_cast %swap3A_345 : vector<1x16xf32> to vector<16xf32>
        %swap3A_347 = vector.shape_cast %mul3A_342 : vector<16xf32> to vector<1x16xf32>
        tpu.vector_store %arg15[%swap3A_343, %swap3A_344], %swap3A_347 {strides = array<i32>} : memref<80x128xf32, #tpu.memory_space<vmem>>, vector<1x16xf32>,
        %get3A_348 = arith.index_cast %scan3A_280 : i32 to index
        %get3A_349 = arith.constant 64 : index
        %get3A_350 = tpu.vector_load %arg9[%get3A_348, %get3A_349] {strides = array<i32>} : memref<80x128xf32, #tpu.memory_space<vmem>>, vector<1x16xf32>,
        %get3A_351 = vector.shape_cast %get3A_350 : vector<1x16xf32> to vector<16xf32>
        %get3A_352 = arith.index_cast %scan3A_280 : i32 to index
        %get3A_353 = arith.constant 64 : index
        %get3A_354 = tpu.vector_load %arg12[%get3A_352, %get3A_353] {strides = array<i32>} : memref<80x128xf32, #tpu.memory_space<vmem>>, vector<1x16xf32>,
        %get3A_355 = vector.shape_cast %get3A_354 : vector<1x16xf32> to vector<16xf32>
        %add3A_356 = arith.addf %get3A_351, %get3A_355 : vector<16xf32>
        %mul3A_357 = arith.constant 5.000000e-01 : f32
        %mul3A_358 = vector.broadcast %mul3A_357 : f32 to vector<16xf32>
        %mul3A_359 = arith.mulf %add3A_356, %mul3A_358 : vector<16xf32>
        %swap3A_360 = arith.index_cast %scan3A_280 : i32 to index
        %swap3A_361 = arith.constant 64 : index
        %swap3A_362 = tpu.vector_load %arg15[%swap3A_360, %swap3A_361] {strides = array<i32>} : memref<80x128xf32, #tpu.memory_space<vmem>>, vector<1x16xf32>,
        %swap3A_363 = vector.shape_cast %swap3A_362 : vector<1x16xf32> to vector<16xf32>
        %swap3A_364 = vector.shape_cast %mul3A_359 : vector<16xf32> to vector<1x16xf32>
        tpu.vector_store %arg15[%swap3A_360, %swap3A_361], %swap3A_364 {strides = array<i32>} : memref<80x128xf32, #tpu.memory_space<vmem>>, vector<1x16xf32>,
        %get3A_365 = arith.index_cast %scan3A_280 : i32 to index
        %get3A_366 = arith.constant 80 : index
        %get3A_367 = tpu.vector_load %arg9[%get3A_365, %get3A_366] {strides = array<i32>} : memref<80x128xf32, #tpu.memory_space<vmem>>, vector<1x16xf32>,
        %get3A_368 = vector.shape_cast %get3A_367 : vector<1x16xf32> to vector<16xf32>
        %get3A_369 = arith.index_cast %scan3A_280 : i32 to index
        %get3A_370 = arith.constant 80 : index
        %get3A_371 = tpu.vector_load %arg12[%get3A_369, %get3A_370] {strides = array<i32>} : memref<80x128xf32, #tpu.memory_space<vmem>>, vector<1x16xf32>,
        %get3A_372 = vector.shape_cast %get3A_371 : vector<1x16xf32> to vector<16xf32>
        %add3A_373 = arith.addf %get3A_368, %get3A_372 : vector<16xf32>
        %mul3A_374 = arith.constant 5.000000e-01 : f32
        %mul3A_375 = vector.broadcast %mul3A_374 : f32 to vector<16xf32>
        %mul3A_376 = arith.mulf %add3A_373, %mul3A_375 : vector<16xf32>
        %swap3A_377 = arith.index_cast %scan3A_280 : i32 to index
        %swap3A_378 = arith.constant 80 : index
        %swap3A_379 = tpu.vector_load %arg15[%swap3A_377, %swap3A_378] {strides = array<i32>} : memref<80x128xf32, #tpu.memory_space<vmem>>, vector<1x16xf32>,
        %swap3A_380 = vector.shape_cast %swap3A_379 : vector<1x16xf32> to vector<16xf32>
        %swap3A_381 = vector.shape_cast %mul3A_376 : vector<16xf32> to vector<1x16xf32>
        tpu.vector_store %arg15[%swap3A_377, %swap3A_378], %swap3A_381 {strides = array<i32>} : memref<80x128xf32, #tpu.memory_space<vmem>>, vector<1x16xf32>,
        %get3A_382 = arith.index_cast %scan3A_280 : i32 to index
        %get3A_383 = arith.constant 96 : index
        %get3A_384 = tpu.vector_load %arg9[%get3A_382, %get3A_383] {strides = array<i32>} : memref<80x128xf32, #tpu.memory_space<vmem>>, vector<1x16xf32>,
        %get3A_385 = vector.shape_cast %get3A_384 : vector<1x16xf32> to vector<16xf32>
        %get3A_386 = arith.index_cast %scan3A_280 : i32 to index
        %get3A_387 = arith.constant 96 : index
        %get3A_388 = tpu.vector_load %arg12[%get3A_386, %get3A_387] {strides = array<i32>} : memref<80x128xf32, #tpu.memory_space<vmem>>, vector<1x16xf32>,
        %get3A_389 = vector.shape_cast %get3A_388 : vector<1x16xf32> to vector<16xf32>
        %add3A_390 = arith.addf %get3A_385, %get3A_389 : vector<16xf32>
        %mul3A_391 = arith.constant 5.000000e-01 : f32
        %mul3A_392 = vector.broadcast %mul3A_391 : f32 to vector<16xf32>
        %mul3A_393 = arith.mulf %add3A_390, %mul3A_392 : vector<16xf32>
        %swap3A_394 = arith.index_cast %scan3A_280 : i32 to index
        %swap3A_395 = arith.constant 96 : index
        %swap3A_396 = tpu.vector_load %arg15[%swap3A_394, %swap3A_395] {strides = array<i32>} : memref<80x128xf32, #tpu.memory_space<vmem>>, vector<1x16xf32>,
        %swap3A_397 = vector.shape_cast %swap3A_396 : vector<1x16xf32> to vector<16xf32>
        %swap3A_398 = vector.shape_cast %mul3A_393 : vector<16xf32> to vector<1x16xf32>
        tpu.vector_store %arg15[%swap3A_394, %swap3A_395], %swap3A_398 {strides = array<i32>} : memref<80x128xf32, #tpu.memory_space<vmem>>, vector<1x16xf32>,
        %get3A_399 = arith.index_cast %scan3A_280 : i32 to index
        %get3A_400 = arith.constant 112 : index
        %get3A_401 = tpu.vector_load %arg9[%get3A_399, %get3A_400] {strides = array<i32>} : memref<80x128xf32, #tpu.memory_space<vmem>>, vector<1x16xf32>,
        %get3A_402 = vector.shape_cast %get3A_401 : vector<1x16xf32> to vector<16xf32>
        %get3A_403 = arith.index_cast %scan3A_280 : i32 to index
        %get3A_404 = arith.constant 112 : index
        %get3A_405 = tpu.vector_load %arg12[%get3A_403, %get3A_404] {strides = array<i32>} : memref<80x128xf32, #tpu.memory_space<vmem>>, vector<1x16xf32>,
        %get3A_406 = vector.shape_cast %get3A_405 : vector<1x16xf32> to vector<16xf32>
        %add3A_407 = arith.addf %get3A_402, %get3A_406 : vector<16xf32>
        %mul3A_408 = arith.constant 5.000000e-01 : f32
        %mul3A_409 = vector.broadcast %mul3A_408 : f32 to vector<16xf32>
        %mul3A_410 = arith.mulf %add3A_407, %mul3A_409 : vector<16xf32>
        %swap3A_411 = arith.index_cast %scan3A_280 : i32 to index
        %swap3A_412 = arith.constant 112 : index
        %swap3A_413 = tpu.vector_load %arg15[%swap3A_411, %swap3A_412] {strides = array<i32>} : memref<80x128xf32, #tpu.memory_space<vmem>>, vector<1x16xf32>,
        %swap3A_414 = vector.shape_cast %swap3A_413 : vector<1x16xf32> to vector<16xf32>
        %swap3A_415 = vector.shape_cast %mul3A_410 : vector<16xf32> to vector<1x16xf32>
        tpu.vector_store %arg15[%swap3A_411, %swap3A_412], %swap3A_415 {strides = array<i32>} : memref<80x128xf32, #tpu.memory_space<vmem>>, vector<1x16xf32>,
        %scan3A_416 = arith.constant 0 : i32
        scf.yield %scan3A_416 : i32
      }
      %scan3A_225 = arith.constant 80 : i32
      %mul3A_226 = arith.constant 80 : i32
      %mul3A_227 = arith.muli %add3A_190, %mul3A_226 : i32
      %add3A_228 = arith.addi %mul3A_2, %mul3A_227 : i32
      %dma_start3A_229 = arith.constant 0 : i32
      %dma_start3A_230 = tpu.memref_slice %arg4[%add3A_228, %dma_start3A_229] : memref<320000x128xf32, #tpu.memory_space<hbm>> -> memref<80x128xf32, #tpu.memory_space<hbm>>
      %dma_start3A_231 = arith.constant 0 : i32
      %dma_start3A_232 = tpu.memref_slice %arg4[%add3A_228, %dma_start3A_231] : memref<320000x128xf32, #tpu.memory_space<hbm>> -> memref<80x128xf32, #tpu.memory_space<hbm>>
      tpu.enqueue_dma source(%arg15 : memref<80x128xf32, #tpu.memory_space<vmem>>) target(%dma_start3A_232 : memref<80x128xf32, #tpu.memory_space<hbm>>) target_semaphore(%arg27 : memref<!tpu.dma_semaphore, #tpu.memory_space<semaphore_mem>>)
      %mul3A_233 = arith.constant 3 : i32
      %mul3A_234 = arith.muli %mul3A_233, %scan3A_141 : i32
      %add3A_235 = arith.constant 2 : i32
      %add3A_236 = arith.addi %mul3A_234, %add3A_235 : i32
      %add3A_237 = arith.constant 2 : i32
      %add3A_238 = arith.addi %add3A_236, %add3A_237 : i32
      %lt3A_239 = arith.constant 125 : i32
      %lt3A_240 = arith.cmpi slt, %add3A_238, %lt3A_239 : i32
      %convert_element_type3A_241 = arith.extui %lt3A_240 : i1 to i32
      %cond3A_242 = arith.constant 0 : i32
      %cond3A_243 = arith.cmpi ne, %convert_element_type3A_241, %cond3A_242 : i32
      scf.if %cond3A_243 {
        %dma_wait3A_280 = arith.constant 0 : i32
        %dma_wait3A_281 = tpu.memref_slice %arg3[%dma_wait3A_280] : memref<320000xi32, #tpu.memory_space<hbm>> -> memref<80xi32, #tpu.memory_space<hbm>>
        %dma_wait3A_282 = arith.constant 0 : i32
        %dma_wait3A_283 = tpu.memref_slice %arg3[%dma_wait3A_282] : memref<320000xi32, #tpu.memory_space<hbm>> -> memref<80xi32, #tpu.memory_space<hbm>>
        tpu.wait_dma2 semaphore(%arg18 : memref<!tpu.dma_semaphore, #tpu.memory_space<semaphore_mem>>) src(%dma_wait3A_283 : memref<80xi32, #tpu.memory_space<hbm>>) dst(%arg6 : memref<80xi32, #tpu.memory_space<vmem>>)
        %add3A_284 = arith.constant 2 : i32
        %add3A_285 = arith.addi %add3A_236, %add3A_284 : i32
        %mul3A_286 = arith.constant 80 : i32
        %mul3A_287 = arith.muli %add3A_285, %mul3A_286 : i32
        %add3A_288 = arith.addi %mul3A_2, %mul3A_287 : i32
        %dma_start3A_289 = arith.constant 0 : i32
        %dma_start3A_290 = arith.constant 0 : i32
        %dma_start3A_291 = tpu.memref_slice %arg2[%dma_start3A_289, %dma_start3A_290] : memref<320000x128xf32, #tpu.memory_space<hbm>> -> memref<320000x128xf32, #tpu.memory_space<hbm>>
        tpu.enqueue_indirect_dma source(%dma_start3A_291 : memref<320000x128xf32, #tpu.memory_space<hbm>>) target(%arg9 : memref<80x128xf32, #tpu.memory_space<vmem>>) offsets(%arg6 : memref<80xi32, #tpu.memory_space<vmem>>) semaphore(%arg21 : memref<!tpu.dma_semaphore, #tpu.memory_space<semaphore_mem>>)
        %dma_start3A_292 = arith.constant 0 : i32
        %dma_start3A_293 = tpu.memref_slice %arg2[%add3A_288, %dma_start3A_292] : memref<320000x128xf32, #tpu.memory_space<hbm>> -> memref<80x128xf32, #tpu.memory_space<hbm>>
        %dma_start3A_294 = arith.constant 0 : i32
        %dma_start3A_295 = tpu.memref_slice %arg2[%add3A_288, %dma_start3A_294] : memref<320000x128xf32, #tpu.memory_space<hbm>> -> memref<80x128xf32, #tpu.memory_space<hbm>>
        tpu.enqueue_dma source(%dma_start3A_295 : memref<80x128xf32, #tpu.memory_space<hbm>>) target(%arg12 : memref<80x128xf32, #tpu.memory_space<vmem>>) target_semaphore(%arg24 : memref<!tpu.dma_semaphore, #tpu.memory_space<semaphore_mem>>)
      } else {
      }
      %dma_wait3A_244 = arith.constant 0 : i32
      %dma_wait3A_245 = arith.constant 0 : i32
      %dma_wait3A_246 = tpu.memref_slice %arg2[%dma_wait3A_244, %dma_wait3A_245] : memref<320000x128xf32, #tpu.memory_space<hbm>> -> memref<320000x128xf32, #tpu.memory_space<hbm>>
      tpu.wait_indirect_dma semaphore(%arg22 : memref<!tpu.dma_semaphore, #tpu.memory_space<semaphore_mem>>) src(%dma_wait3A_246 : memref<320000x128xf32, #tpu.memory_space<hbm>>) dst(%arg10 : memref<80x128xf32, #tpu.memory_space<vmem>>)
      %dma_wait3A_247 = arith.constant 0 : i32
      %dma_wait3A_248 = arith.constant 0 : i32
      %dma_wait3A_249 = tpu.memref_slice %arg2[%dma_wait3A_247, %dma_wait3A_248] : memref<320000x128xf32, #tpu.memory_space<hbm>> -> memref<80x128xf32, #tpu.memory_space<hbm>>
      %dma_wait3A_250 = arith.constant 0 : i32
      %dma_wait3A_251 = arith.constant 0 : i32
      %dma_wait3A_252 = tpu.memref_slice %arg2[%dma_wait3A_250, %dma_wait3A_251] : memref<320000x128xf32, #tpu.memory_space<hbm>> -> memref<80x128xf32, #tpu.memory_space<hbm>>
      tpu.wait_dma2 semaphore(%arg25 : memref<!tpu.dma_semaphore, #tpu.memory_space<semaphore_mem>>) src(%dma_wait3A_252 : memref<80x128xf32, #tpu.memory_space<hbm>>) dst(%arg13 : memref<80x128xf32, #tpu.memory_space<vmem>>)
      %add3A_253 = arith.constant 3 : i32
      %add3A_254 = arith.addi %add3A_236, %add3A_253 : i32
      %lt3A_255 = arith.constant 125 : i32
      %lt3A_256 = arith.cmpi slt, %add3A_254, %lt3A_255 : i32
      %convert_element_type3A_257 = arith.extui %lt3A_256 : i1 to i32
      %cond3A_258 = arith.constant 0 : i32
      %cond3A_259 = arith.cmpi ne, %convert_element_type3A_257, %cond3A_258 : i32
      scf.if %cond3A_259 {
        %add3A_280 = arith.constant 3 : i32
        %add3A_281 = arith.addi %add3A_236, %add3A_280 : i32
        %mul3A_282 = arith.constant 80 : i32
        %mul3A_283 = arith.muli %add3A_281, %mul3A_282 : i32
        %add3A_284 = arith.addi %mul3A_2, %mul3A_283 : i32
        %dma_start3A_285 = tpu.memref_slice %arg3[%add3A_284] : memref<320000xi32, #tpu.memory_space<hbm>> -> memref<80xi32, #tpu.memory_space<hbm>>
        %dma_start3A_286 = tpu.memref_slice %arg3[%add3A_284] : memref<320000xi32, #tpu.memory_space<hbm>> -> memref<80xi32, #tpu.memory_space<hbm>>
        tpu.enqueue_dma source(%dma_start3A_286 : memref<80xi32, #tpu.memory_space<hbm>>) target(%arg7 : memref<80xi32, #tpu.memory_space<vmem>>) target_semaphore(%arg19 : memref<!tpu.dma_semaphore, #tpu.memory_space<semaphore_mem>>)
      } else {
      }
      %ge3A_260 = arith.constant 3 : i32
      %ge3A_261 = arith.cmpi sge, %add3A_236, %ge3A_260 : i32
      %convert_element_type3A_262 = arith.extui %ge3A_261 : i1 to i32
      %cond3A_263 = arith.constant 0 : i32
      %cond3A_264 = arith.cmpi ne, %convert_element_type3A_262, %cond3A_263 : i32
      scf.if %cond3A_264 {
        %dma_wait3A_280 = arith.constant 0 : i32
        %dma_wait3A_281 = arith.constant 0 : i32
        %dma_wait3A_282 = tpu.memref_slice %arg4[%dma_wait3A_280, %dma_wait3A_281] : memref<320000x128xf32, #tpu.memory_space<hbm>> -> memref<80x128xf32, #tpu.memory_space<hbm>>
        %dma_wait3A_283 = arith.constant 0 : i32
        %dma_wait3A_284 = arith.constant 0 : i32
        %dma_wait3A_285 = tpu.memref_slice %arg4[%dma_wait3A_283, %dma_wait3A_284] : memref<320000x128xf32, #tpu.memory_space<hbm>> -> memref<80x128xf32, #tpu.memory_space<hbm>>
        tpu.wait_dma2 semaphore(%arg28 : memref<!tpu.dma_semaphore, #tpu.memory_space<semaphore_mem>>) src(%arg16 : memref<80x128xf32, #tpu.memory_space<vmem>>) dst(%dma_wait3A_285 : memref<80x128xf32, #tpu.memory_space<hbm>>)
      } else {
      }
      %scan3A_265 = arith.constant 0 : i32
      %scan3A_266 = arith.constant 0 : i32
      %scan3A_267 = arith.constant 80 : i32
      %scan3A_268 = arith.addi %scan3A_266, %scan3A_267 : i32
      %scan3A_269 = arith.constant 1 : i32
      %scan3A_270 = scf.for %scan3A_280 = %scan3A_266 to %scan3A_268 step %scan3A_269 iter_args(%scan3A_281 = %scan3A_265) -> (i32)  : i32 {
        %get3A = arith.index_cast %scan3A_280 : i32 to index
        %get3A_282 = arith.constant 0 : index
        %get3A_283 = tpu.vector_load %arg10[%get3A, %get3A_282] {strides = array<i32>} : memref<80x128xf32, #tpu.memory_space<vmem>>, vector<1x16xf32>,
        %get3A_284 = vector.shape_cast %get3A_283 : vector<1x16xf32> to vector<16xf32>
        %get3A_285 = arith.index_cast %scan3A_280 : i32 to index
        %get3A_286 = arith.constant 0 : index
        %get3A_287 = tpu.vector_load %arg13[%get3A_285, %get3A_286] {strides = array<i32>} : memref<80x128xf32, #tpu.memory_space<vmem>>, vector<1x16xf32>,
        %get3A_288 = vector.shape_cast %get3A_287 : vector<1x16xf32> to vector<16xf32>
        %add3A_289 = arith.addf %get3A_284, %get3A_288 : vector<16xf32>
        %mul3A_290 = arith.constant 5.000000e-01 : f32
        %mul3A_291 = vector.broadcast %mul3A_290 : f32 to vector<16xf32>
        %mul3A_292 = arith.mulf %add3A_289, %mul3A_291 : vector<16xf32>
        %swap3A = arith.index_cast %scan3A_280 : i32 to index
        %swap3A_293 = arith.constant 0 : index
        %swap3A_294 = tpu.vector_load %arg16[%swap3A, %swap3A_293] {strides = array<i32>} : memref<80x128xf32, #tpu.memory_space<vmem>>, vector<1x16xf32>,
        %swap3A_295 = vector.shape_cast %swap3A_294 : vector<1x16xf32> to vector<16xf32>
        %swap3A_296 = vector.shape_cast %mul3A_292 : vector<16xf32> to vector<1x16xf32>
        tpu.vector_store %arg16[%swap3A, %swap3A_293], %swap3A_296 {strides = array<i32>} : memref<80x128xf32, #tpu.memory_space<vmem>>, vector<1x16xf32>,
        %get3A_297 = arith.index_cast %scan3A_280 : i32 to index
        %get3A_298 = arith.constant 16 : index
        %get3A_299 = tpu.vector_load %arg10[%get3A_297, %get3A_298] {strides = array<i32>} : memref<80x128xf32, #tpu.memory_space<vmem>>, vector<1x16xf32>,
        %get3A_300 = vector.shape_cast %get3A_299 : vector<1x16xf32> to vector<16xf32>
        %get3A_301 = arith.index_cast %scan3A_280 : i32 to index
        %get3A_302 = arith.constant 16 : index
        %get3A_303 = tpu.vector_load %arg13[%get3A_301, %get3A_302] {strides = array<i32>} : memref<80x128xf32, #tpu.memory_space<vmem>>, vector<1x16xf32>,
        %get3A_304 = vector.shape_cast %get3A_303 : vector<1x16xf32> to vector<16xf32>
        %add3A_305 = arith.addf %get3A_300, %get3A_304 : vector<16xf32>
        %mul3A_306 = arith.constant 5.000000e-01 : f32
        %mul3A_307 = vector.broadcast %mul3A_306 : f32 to vector<16xf32>
        %mul3A_308 = arith.mulf %add3A_305, %mul3A_307 : vector<16xf32>
        %swap3A_309 = arith.index_cast %scan3A_280 : i32 to index
        %swap3A_310 = arith.constant 16 : index
        %swap3A_311 = tpu.vector_load %arg16[%swap3A_309, %swap3A_310] {strides = array<i32>} : memref<80x128xf32, #tpu.memory_space<vmem>>, vector<1x16xf32>,
        %swap3A_312 = vector.shape_cast %swap3A_311 : vector<1x16xf32> to vector<16xf32>
        %swap3A_313 = vector.shape_cast %mul3A_308 : vector<16xf32> to vector<1x16xf32>
        tpu.vector_store %arg16[%swap3A_309, %swap3A_310], %swap3A_313 {strides = array<i32>} : memref<80x128xf32, #tpu.memory_space<vmem>>, vector<1x16xf32>,
        %get3A_314 = arith.index_cast %scan3A_280 : i32 to index
        %get3A_315 = arith.constant 32 : index
        %get3A_316 = tpu.vector_load %arg10[%get3A_314, %get3A_315] {strides = array<i32>} : memref<80x128xf32, #tpu.memory_space<vmem>>, vector<1x16xf32>,
        %get3A_317 = vector.shape_cast %get3A_316 : vector<1x16xf32> to vector<16xf32>
        %get3A_318 = arith.index_cast %scan3A_280 : i32 to index
        %get3A_319 = arith.constant 32 : index
        %get3A_320 = tpu.vector_load %arg13[%get3A_318, %get3A_319] {strides = array<i32>} : memref<80x128xf32, #tpu.memory_space<vmem>>, vector<1x16xf32>,
        %get3A_321 = vector.shape_cast %get3A_320 : vector<1x16xf32> to vector<16xf32>
        %add3A_322 = arith.addf %get3A_317, %get3A_321 : vector<16xf32>
        %mul3A_323 = arith.constant 5.000000e-01 : f32
        %mul3A_324 = vector.broadcast %mul3A_323 : f32 to vector<16xf32>
        %mul3A_325 = arith.mulf %add3A_322, %mul3A_324 : vector<16xf32>
        %swap3A_326 = arith.index_cast %scan3A_280 : i32 to index
        %swap3A_327 = arith.constant 32 : index
        %swap3A_328 = tpu.vector_load %arg16[%swap3A_326, %swap3A_327] {strides = array<i32>} : memref<80x128xf32, #tpu.memory_space<vmem>>, vector<1x16xf32>,
        %swap3A_329 = vector.shape_cast %swap3A_328 : vector<1x16xf32> to vector<16xf32>
        %swap3A_330 = vector.shape_cast %mul3A_325 : vector<16xf32> to vector<1x16xf32>
        tpu.vector_store %arg16[%swap3A_326, %swap3A_327], %swap3A_330 {strides = array<i32>} : memref<80x128xf32, #tpu.memory_space<vmem>>, vector<1x16xf32>,
        %get3A_331 = arith.index_cast %scan3A_280 : i32 to index
        %get3A_332 = arith.constant 48 : index
        %get3A_333 = tpu.vector_load %arg10[%get3A_331, %get3A_332] {strides = array<i32>} : memref<80x128xf32, #tpu.memory_space<vmem>>, vector<1x16xf32>,
        %get3A_334 = vector.shape_cast %get3A_333 : vector<1x16xf32> to vector<16xf32>
        %get3A_335 = arith.index_cast %scan3A_280 : i32 to index
        %get3A_336 = arith.constant 48 : index
        %get3A_337 = tpu.vector_load %arg13[%get3A_335, %get3A_336] {strides = array<i32>} : memref<80x128xf32, #tpu.memory_space<vmem>>, vector<1x16xf32>,
        %get3A_338 = vector.shape_cast %get3A_337 : vector<1x16xf32> to vector<16xf32>
        %add3A_339 = arith.addf %get3A_334, %get3A_338 : vector<16xf32>
        %mul3A_340 = arith.constant 5.000000e-01 : f32
        %mul3A_341 = vector.broadcast %mul3A_340 : f32 to vector<16xf32>
        %mul3A_342 = arith.mulf %add3A_339, %mul3A_341 : vector<16xf32>
        %swap3A_343 = arith.index_cast %scan3A_280 : i32 to index
        %swap3A_344 = arith.constant 48 : index
        %swap3A_345 = tpu.vector_load %arg16[%swap3A_343, %swap3A_344] {strides = array<i32>} : memref<80x128xf32, #tpu.memory_space<vmem>>, vector<1x16xf32>,
        %swap3A_346 = vector.shape_cast %swap3A_345 : vector<1x16xf32> to vector<16xf32>
        %swap3A_347 = vector.shape_cast %mul3A_342 : vector<16xf32> to vector<1x16xf32>
        tpu.vector_store %arg16[%swap3A_343, %swap3A_344], %swap3A_347 {strides = array<i32>} : memref<80x128xf32, #tpu.memory_space<vmem>>, vector<1x16xf32>,
        %get3A_348 = arith.index_cast %scan3A_280 : i32 to index
        %get3A_349 = arith.constant 64 : index
        %get3A_350 = tpu.vector_load %arg10[%get3A_348, %get3A_349] {strides = array<i32>} : memref<80x128xf32, #tpu.memory_space<vmem>>, vector<1x16xf32>,
        %get3A_351 = vector.shape_cast %get3A_350 : vector<1x16xf32> to vector<16xf32>
        %get3A_352 = arith.index_cast %scan3A_280 : i32 to index
        %get3A_353 = arith.constant 64 : index
        %get3A_354 = tpu.vector_load %arg13[%get3A_352, %get3A_353] {strides = array<i32>} : memref<80x128xf32, #tpu.memory_space<vmem>>, vector<1x16xf32>,
        %get3A_355 = vector.shape_cast %get3A_354 : vector<1x16xf32> to vector<16xf32>
        %add3A_356 = arith.addf %get3A_351, %get3A_355 : vector<16xf32>
        %mul3A_357 = arith.constant 5.000000e-01 : f32
        %mul3A_358 = vector.broadcast %mul3A_357 : f32 to vector<16xf32>
        %mul3A_359 = arith.mulf %add3A_356, %mul3A_358 : vector<16xf32>
        %swap3A_360 = arith.index_cast %scan3A_280 : i32 to index
        %swap3A_361 = arith.constant 64 : index
        %swap3A_362 = tpu.vector_load %arg16[%swap3A_360, %swap3A_361] {strides = array<i32>} : memref<80x128xf32, #tpu.memory_space<vmem>>, vector<1x16xf32>,
        %swap3A_363 = vector.shape_cast %swap3A_362 : vector<1x16xf32> to vector<16xf32>
        %swap3A_364 = vector.shape_cast %mul3A_359 : vector<16xf32> to vector<1x16xf32>
        tpu.vector_store %arg16[%swap3A_360, %swap3A_361], %swap3A_364 {strides = array<i32>} : memref<80x128xf32, #tpu.memory_space<vmem>>, vector<1x16xf32>,
        %get3A_365 = arith.index_cast %scan3A_280 : i32 to index
        %get3A_366 = arith.constant 80 : index
        %get3A_367 = tpu.vector_load %arg10[%get3A_365, %get3A_366] {strides = array<i32>} : memref<80x128xf32, #tpu.memory_space<vmem>>, vector<1x16xf32>,
        %get3A_368 = vector.shape_cast %get3A_367 : vector<1x16xf32> to vector<16xf32>
        %get3A_369 = arith.index_cast %scan3A_280 : i32 to index
        %get3A_370 = arith.constant 80 : index
        %get3A_371 = tpu.vector_load %arg13[%get3A_369, %get3A_370] {strides = array<i32>} : memref<80x128xf32, #tpu.memory_space<vmem>>, vector<1x16xf32>,
        %get3A_372 = vector.shape_cast %get3A_371 : vector<1x16xf32> to vector<16xf32>
        %add3A_373 = arith.addf %get3A_368, %get3A_372 : vector<16xf32>
        %mul3A_374 = arith.constant 5.000000e-01 : f32
        %mul3A_375 = vector.broadcast %mul3A_374 : f32 to vector<16xf32>
        %mul3A_376 = arith.mulf %add3A_373, %mul3A_375 : vector<16xf32>
        %swap3A_377 = arith.index_cast %scan3A_280 : i32 to index
        %swap3A_378 = arith.constant 80 : index
        %swap3A_379 = tpu.vector_load %arg16[%swap3A_377, %swap3A_378] {strides = array<i32>} : memref<80x128xf32, #tpu.memory_space<vmem>>, vector<1x16xf32>,
        %swap3A_380 = vector.shape_cast %swap3A_379 : vector<1x16xf32> to vector<16xf32>
        %swap3A_381 = vector.shape_cast %mul3A_376 : vector<16xf32> to vector<1x16xf32>
        tpu.vector_store %arg16[%swap3A_377, %swap3A_378], %swap3A_381 {strides = array<i32>} : memref<80x128xf32, #tpu.memory_space<vmem>>, vector<1x16xf32>,
        %get3A_382 = arith.index_cast %scan3A_280 : i32 to index
        %get3A_383 = arith.constant 96 : index
        %get3A_384 = tpu.vector_load %arg10[%get3A_382, %get3A_383] {strides = array<i32>} : memref<80x128xf32, #tpu.memory_space<vmem>>, vector<1x16xf32>,
        %get3A_385 = vector.shape_cast %get3A_384 : vector<1x16xf32> to vector<16xf32>
        %get3A_386 = arith.index_cast %scan3A_280 : i32 to index
        %get3A_387 = arith.constant 96 : index
        %get3A_388 = tpu.vector_load %arg13[%get3A_386, %get3A_387] {strides = array<i32>} : memref<80x128xf32, #tpu.memory_space<vmem>>, vector<1x16xf32>,
        %get3A_389 = vector.shape_cast %get3A_388 : vector<1x16xf32> to vector<16xf32>
        %add3A_390 = arith.addf %get3A_385, %get3A_389 : vector<16xf32>
        %mul3A_391 = arith.constant 5.000000e-01 : f32
        %mul3A_392 = vector.broadcast %mul3A_391 : f32 to vector<16xf32>
        %mul3A_393 = arith.mulf %add3A_390, %mul3A_392 : vector<16xf32>
        %swap3A_394 = arith.index_cast %scan3A_280 : i32 to index
        %swap3A_395 = arith.constant 96 : index
        %swap3A_396 = tpu.vector_load %arg16[%swap3A_394, %swap3A_395] {strides = array<i32>} : memref<80x128xf32, #tpu.memory_space<vmem>>, vector<1x16xf32>,
        %swap3A_397 = vector.shape_cast %swap3A_396 : vector<1x16xf32> to vector<16xf32>
        %swap3A_398 = vector.shape_cast %mul3A_393 : vector<16xf32> to vector<1x16xf32>
        tpu.vector_store %arg16[%swap3A_394, %swap3A_395], %swap3A_398 {strides = array<i32>} : memref<80x128xf32, #tpu.memory_space<vmem>>, vector<1x16xf32>,
        %get3A_399 = arith.index_cast %scan3A_280 : i32 to index
        %get3A_400 = arith.constant 112 : index
        %get3A_401 = tpu.vector_load %arg10[%get3A_399, %get3A_400] {strides = array<i32>} : memref<80x128xf32, #tpu.memory_space<vmem>>, vector<1x16xf32>,
        %get3A_402 = vector.shape_cast %get3A_401 : vector<1x16xf32> to vector<16xf32>
        %get3A_403 = arith.index_cast %scan3A_280 : i32 to index
        %get3A_404 = arith.constant 112 : index
        %get3A_405 = tpu.vector_load %arg13[%get3A_403, %get3A_404] {strides = array<i32>} : memref<80x128xf32, #tpu.memory_space<vmem>>, vector<1x16xf32>,
        %get3A_406 = vector.shape_cast %get3A_405 : vector<1x16xf32> to vector<16xf32>
        %add3A_407 = arith.addf %get3A_402, %get3A_406 : vector<16xf32>
        %mul3A_408 = arith.constant 5.000000e-01 : f32
        %mul3A_409 = vector.broadcast %mul3A_408 : f32 to vector<16xf32>
        %mul3A_410 = arith.mulf %add3A_407, %mul3A_409 : vector<16xf32>
        %swap3A_411 = arith.index_cast %scan3A_280 : i32 to index
        %swap3A_412 = arith.constant 112 : index
        %swap3A_413 = tpu.vector_load %arg16[%swap3A_411, %swap3A_412] {strides = array<i32>} : memref<80x128xf32, #tpu.memory_space<vmem>>, vector<1x16xf32>,
        %swap3A_414 = vector.shape_cast %swap3A_413 : vector<1x16xf32> to vector<16xf32>
        %swap3A_415 = vector.shape_cast %mul3A_410 : vector<16xf32> to vector<1x16xf32>
        tpu.vector_store %arg16[%swap3A_411, %swap3A_412], %swap3A_415 {strides = array<i32>} : memref<80x128xf32, #tpu.memory_space<vmem>>, vector<1x16xf32>,
        %scan3A_416 = arith.constant 0 : i32
        scf.yield %scan3A_416 : i32
      }
      %scan3A_271 = arith.constant 80 : i32
      %mul3A_272 = arith.constant 80 : i32
      %mul3A_273 = arith.muli %add3A_236, %mul3A_272 : i32
      %add3A_274 = arith.addi %mul3A_2, %mul3A_273 : i32
      %dma_start3A_275 = arith.constant 0 : i32
      %dma_start3A_276 = tpu.memref_slice %arg4[%add3A_274, %dma_start3A_275] : memref<320000x128xf32, #tpu.memory_space<hbm>> -> memref<80x128xf32, #tpu.memory_space<hbm>>
      %dma_start3A_277 = arith.constant 0 : i32
      %dma_start3A_278 = tpu.memref_slice %arg4[%add3A_274, %dma_start3A_277] : memref<320000x128xf32, #tpu.memory_space<hbm>> -> memref<80x128xf32, #tpu.memory_space<hbm>>
      tpu.enqueue_dma source(%arg16 : memref<80x128xf32, #tpu.memory_space<vmem>>) target(%dma_start3A_278 : memref<80x128xf32, #tpu.memory_space<hbm>>) target_semaphore(%arg28 : memref<!tpu.dma_semaphore, #tpu.memory_space<semaphore_mem>>)
      %scan3A_279 = arith.constant 0 : i32
      scf.yield %scan3A_279 : i32
    }
    %scan3A_31 = arith.constant 41 : i32
    %add3A_32 = arith.constant 123 : i32
    %add3A_33 = arith.constant 2 : i32
    %add3A_34 = arith.addi %add3A_32, %add3A_33 : i32
    %lt3A = arith.constant 125 : i32
    %lt3A_35 = arith.cmpi slt, %add3A_34, %lt3A : i32
    %convert_element_type3A = arith.extui %lt3A_35 : i1 to i32
    %cond3A = arith.constant 123 : i32
    %cond3A_36 = arith.constant 0 : i32
    %cond3A_37 = arith.cmpi ne, %convert_element_type3A, %cond3A_36 : i32
    scf.if %cond3A_37 {
      %dma_wait3A_141 = arith.constant 0 : i32
      %dma_wait3A_142 = tpu.memref_slice %arg3[%dma_wait3A_141] : memref<320000xi32, #tpu.memory_space<hbm>> -> memref<80xi32, #tpu.memory_space<hbm>>
      %dma_wait3A_143 = arith.constant 0 : i32
      %dma_wait3A_144 = tpu.memref_slice %arg3[%dma_wait3A_143] : memref<320000xi32, #tpu.memory_space<hbm>> -> memref<80xi32, #tpu.memory_space<hbm>>
      tpu.wait_dma2 semaphore(%arg19 : memref<!tpu.dma_semaphore, #tpu.memory_space<semaphore_mem>>) src(%dma_wait3A_144 : memref<80xi32, #tpu.memory_space<hbm>>) dst(%arg7 : memref<80xi32, #tpu.memory_space<vmem>>)
      %add3A_145 = arith.constant 2 : i32
      %add3A_146 = arith.addi %cond3A, %add3A_145 : i32
      %mul3A_147 = arith.constant 80 : i32
      %mul3A_148 = arith.muli %add3A_146, %mul3A_147 : i32
      %add3A_149 = arith.addi %mul3A_2, %mul3A_148 : i32
      %dma_start3A_150 = arith.constant 0 : i32
      %dma_start3A_151 = arith.constant 0 : i32
      %dma_start3A_152 = tpu.memref_slice %arg2[%dma_start3A_150, %dma_start3A_151] : memref<320000x128xf32, #tpu.memory_space<hbm>> -> memref<320000x128xf32, #tpu.memory_space<hbm>>
      tpu.enqueue_indirect_dma source(%dma_start3A_152 : memref<320000x128xf32, #tpu.memory_space<hbm>>) target(%arg10 : memref<80x128xf32, #tpu.memory_space<vmem>>) offsets(%arg7 : memref<80xi32, #tpu.memory_space<vmem>>) semaphore(%arg22 : memref<!tpu.dma_semaphore, #tpu.memory_space<semaphore_mem>>)
      %dma_start3A_153 = arith.constant 0 : i32
      %dma_start3A_154 = tpu.memref_slice %arg2[%add3A_149, %dma_start3A_153] : memref<320000x128xf32, #tpu.memory_space<hbm>> -> memref<80x128xf32, #tpu.memory_space<hbm>>
      %dma_start3A_155 = arith.constant 0 : i32
      %dma_start3A_156 = tpu.memref_slice %arg2[%add3A_149, %dma_start3A_155] : memref<320000x128xf32, #tpu.memory_space<hbm>> -> memref<80x128xf32, #tpu.memory_space<hbm>>
      tpu.enqueue_dma source(%dma_start3A_156 : memref<80x128xf32, #tpu.memory_space<hbm>>) target(%arg13 : memref<80x128xf32, #tpu.memory_space<vmem>>) target_semaphore(%arg25 : memref<!tpu.dma_semaphore, #tpu.memory_space<semaphore_mem>>)
    } else {
    }
    %dma_wait3A = arith.constant 0 : i32
    %dma_wait3A_38 = arith.constant 0 : i32
    %dma_wait3A_39 = tpu.memref_slice %arg2[%dma_wait3A, %dma_wait3A_38] : memref<320000x128xf32, #tpu.memory_space<hbm>> -> memref<320000x128xf32, #tpu.memory_space<hbm>>
    tpu.wait_indirect_dma semaphore(%arg20 : memref<!tpu.dma_semaphore, #tpu.memory_space<semaphore_mem>>) src(%dma_wait3A_39 : memref<320000x128xf32, #tpu.memory_space<hbm>>) dst(%arg8 : memref<80x128xf32, #tpu.memory_space<vmem>>)
    %dma_wait3A_40 = arith.constant 0 : i32
    %dma_wait3A_41 = arith.constant 0 : i32
    %dma_wait3A_42 = tpu.memref_slice %arg2[%dma_wait3A_40, %dma_wait3A_41] : memref<320000x128xf32, #tpu.memory_space<hbm>> -> memref<80x128xf32, #tpu.memory_space<hbm>>
    %dma_wait3A_43 = arith.constant 0 : i32
    %dma_wait3A_44 = arith.constant 0 : i32
    %dma_wait3A_45 = tpu.memref_slice %arg2[%dma_wait3A_43, %dma_wait3A_44] : memref<320000x128xf32, #tpu.memory_space<hbm>> -> memref<80x128xf32, #tpu.memory_space<hbm>>
    tpu.wait_dma2 semaphore(%arg23 : memref<!tpu.dma_semaphore, #tpu.memory_space<semaphore_mem>>) src(%dma_wait3A_45 : memref<80x128xf32, #tpu.memory_space<hbm>>) dst(%arg11 : memref<80x128xf32, #tpu.memory_space<vmem>>)
    %add3A_46 = arith.constant 123 : i32
    %add3A_47 = arith.constant 3 : i32
    %add3A_48 = arith.addi %add3A_46, %add3A_47 : i32
    %lt3A_49 = arith.constant 125 : i32
    %lt3A_50 = arith.cmpi slt, %add3A_48, %lt3A_49 : i32
    %convert_element_type3A_51 = arith.extui %lt3A_50 : i1 to i32
    %cond3A_52 = arith.constant 123 : i32
    %cond3A_53 = arith.constant 0 : i32
    %cond3A_54 = arith.cmpi ne, %convert_element_type3A_51, %cond3A_53 : i32
    scf.if %cond3A_54 {
      %add3A_141 = arith.constant 3 : i32
      %add3A_142 = arith.addi %cond3A_52, %add3A_141 : i32
      %mul3A_143 = arith.constant 80 : i32
      %mul3A_144 = arith.muli %add3A_142, %mul3A_143 : i32
      %add3A_145 = arith.addi %mul3A_2, %mul3A_144 : i32
      %dma_start3A_146 = tpu.memref_slice %arg3[%add3A_145] : memref<320000xi32, #tpu.memory_space<hbm>> -> memref<80xi32, #tpu.memory_space<hbm>>
      %dma_start3A_147 = tpu.memref_slice %arg3[%add3A_145] : memref<320000xi32, #tpu.memory_space<hbm>> -> memref<80xi32, #tpu.memory_space<hbm>>
      tpu.enqueue_dma source(%dma_start3A_147 : memref<80xi32, #tpu.memory_space<hbm>>) target(%arg5 : memref<80xi32, #tpu.memory_space<vmem>>) target_semaphore(%arg17 : memref<!tpu.dma_semaphore, #tpu.memory_space<semaphore_mem>>)
    } else {
    }
    %ge3A = arith.constant 123 : i32
    %ge3A_55 = arith.constant 3 : i32
    %ge3A_56 = arith.cmpi sge, %ge3A, %ge3A_55 : i32
    %convert_element_type3A_57 = arith.extui %ge3A_56 : i1 to i32
    %cond3A_58 = arith.constant 0 : i32
    %cond3A_59 = arith.cmpi ne, %convert_element_type3A_57, %cond3A_58 : i32
    scf.if %cond3A_59 {
      %dma_wait3A_141 = arith.constant 0 : i32
      %dma_wait3A_142 = arith.constant 0 : i32
      %dma_wait3A_143 = tpu.memref_slice %arg4[%dma_wait3A_141, %dma_wait3A_142] : memref<320000x128xf32, #tpu.memory_space<hbm>> -> memref<80x128xf32, #tpu.memory_space<hbm>>
      %dma_wait3A_144 = arith.constant 0 : i32
      %dma_wait3A_145 = arith.constant 0 : i32
      %dma_wait3A_146 = tpu.memref_slice %arg4[%dma_wait3A_144, %dma_wait3A_145] : memref<320000x128xf32, #tpu.memory_space<hbm>> -> memref<80x128xf32, #tpu.memory_space<hbm>>
      tpu.wait_dma2 semaphore(%arg26 : memref<!tpu.dma_semaphore, #tpu.memory_space<semaphore_mem>>) src(%arg14 : memref<80x128xf32, #tpu.memory_space<vmem>>) dst(%dma_wait3A_146 : memref<80x128xf32, #tpu.memory_space<hbm>>)
    } else {
    }
    %scan3A_60 = arith.constant 0 : i32
    %scan3A_61 = arith.constant 0 : i32
    %scan3A_62 = arith.constant 80 : i32
    %scan3A_63 = arith.addi %scan3A_61, %scan3A_62 : i32
    %scan3A_64 = arith.constant 1 : i32
    %scan3A_65 = scf.for %scan3A_141 = %scan3A_61 to %scan3A_63 step %scan3A_64 iter_args(%scan3A_142 = %scan3A_60) -> (i32)  : i32 {
      %get3A = arith.index_cast %scan3A_141 : i32 to index
      %get3A_143 = arith.constant 0 : index
      %get3A_144 = tpu.vector_load %arg8[%get3A, %get3A_143] {strides = array<i32>} : memref<80x128xf32, #tpu.memory_space<vmem>>, vector<1x16xf32>,
      %get3A_145 = vector.shape_cast %get3A_144 : vector<1x16xf32> to vector<16xf32>
      %get3A_146 = arith.index_cast %scan3A_141 : i32 to index
      %get3A_147 = arith.constant 0 : index
      %get3A_148 = tpu.vector_load %arg11[%get3A_146, %get3A_147] {strides = array<i32>} : memref<80x128xf32, #tpu.memory_space<vmem>>, vector<1x16xf32>,
      %get3A_149 = vector.shape_cast %get3A_148 : vector<1x16xf32> to vector<16xf32>
      %add3A_150 = arith.addf %get3A_145, %get3A_149 : vector<16xf32>
      %mul3A_151 = arith.constant 5.000000e-01 : f32
      %mul3A_152 = vector.broadcast %mul3A_151 : f32 to vector<16xf32>
      %mul3A_153 = arith.mulf %add3A_150, %mul3A_152 : vector<16xf32>
      %swap3A = arith.index_cast %scan3A_141 : i32 to index
      %swap3A_154 = arith.constant 0 : index
      %swap3A_155 = tpu.vector_load %arg14[%swap3A, %swap3A_154] {strides = array<i32>} : memref<80x128xf32, #tpu.memory_space<vmem>>, vector<1x16xf32>,
      %swap3A_156 = vector.shape_cast %swap3A_155 : vector<1x16xf32> to vector<16xf32>
      %swap3A_157 = vector.shape_cast %mul3A_153 : vector<16xf32> to vector<1x16xf32>
      tpu.vector_store %arg14[%swap3A, %swap3A_154], %swap3A_157 {strides = array<i32>} : memref<80x128xf32, #tpu.memory_space<vmem>>, vector<1x16xf32>,
      %get3A_158 = arith.index_cast %scan3A_141 : i32 to index
      %get3A_159 = arith.constant 16 : index
      %get3A_160 = tpu.vector_load %arg8[%get3A_158, %get3A_159] {strides = array<i32>} : memref<80x128xf32, #tpu.memory_space<vmem>>, vector<1x16xf32>,
      %get3A_161 = vector.shape_cast %get3A_160 : vector<1x16xf32> to vector<16xf32>
      %get3A_162 = arith.index_cast %scan3A_141 : i32 to index
      %get3A_163 = arith.constant 16 : index
      %get3A_164 = tpu.vector_load %arg11[%get3A_162, %get3A_163] {strides = array<i32>} : memref<80x128xf32, #tpu.memory_space<vmem>>, vector<1x16xf32>,
      %get3A_165 = vector.shape_cast %get3A_164 : vector<1x16xf32> to vector<16xf32>
      %add3A_166 = arith.addf %get3A_161, %get3A_165 : vector<16xf32>
      %mul3A_167 = arith.constant 5.000000e-01 : f32
      %mul3A_168 = vector.broadcast %mul3A_167 : f32 to vector<16xf32>
      %mul3A_169 = arith.mulf %add3A_166, %mul3A_168 : vector<16xf32>
      %swap3A_170 = arith.index_cast %scan3A_141 : i32 to index
      %swap3A_171 = arith.constant 16 : index
      %swap3A_172 = tpu.vector_load %arg14[%swap3A_170, %swap3A_171] {strides = array<i32>} : memref<80x128xf32, #tpu.memory_space<vmem>>, vector<1x16xf32>,
      %swap3A_173 = vector.shape_cast %swap3A_172 : vector<1x16xf32> to vector<16xf32>
      %swap3A_174 = vector.shape_cast %mul3A_169 : vector<16xf32> to vector<1x16xf32>
      tpu.vector_store %arg14[%swap3A_170, %swap3A_171], %swap3A_174 {strides = array<i32>} : memref<80x128xf32, #tpu.memory_space<vmem>>, vector<1x16xf32>,
      %get3A_175 = arith.index_cast %scan3A_141 : i32 to index
      %get3A_176 = arith.constant 32 : index
      %get3A_177 = tpu.vector_load %arg8[%get3A_175, %get3A_176] {strides = array<i32>} : memref<80x128xf32, #tpu.memory_space<vmem>>, vector<1x16xf32>,
      %get3A_178 = vector.shape_cast %get3A_177 : vector<1x16xf32> to vector<16xf32>
      %get3A_179 = arith.index_cast %scan3A_141 : i32 to index
      %get3A_180 = arith.constant 32 : index
      %get3A_181 = tpu.vector_load %arg11[%get3A_179, %get3A_180] {strides = array<i32>} : memref<80x128xf32, #tpu.memory_space<vmem>>, vector<1x16xf32>,
      %get3A_182 = vector.shape_cast %get3A_181 : vector<1x16xf32> to vector<16xf32>
      %add3A_183 = arith.addf %get3A_178, %get3A_182 : vector<16xf32>
      %mul3A_184 = arith.constant 5.000000e-01 : f32
      %mul3A_185 = vector.broadcast %mul3A_184 : f32 to vector<16xf32>
      %mul3A_186 = arith.mulf %add3A_183, %mul3A_185 : vector<16xf32>
      %swap3A_187 = arith.index_cast %scan3A_141 : i32 to index
      %swap3A_188 = arith.constant 32 : index
      %swap3A_189 = tpu.vector_load %arg14[%swap3A_187, %swap3A_188] {strides = array<i32>} : memref<80x128xf32, #tpu.memory_space<vmem>>, vector<1x16xf32>,
      %swap3A_190 = vector.shape_cast %swap3A_189 : vector<1x16xf32> to vector<16xf32>
      %swap3A_191 = vector.shape_cast %mul3A_186 : vector<16xf32> to vector<1x16xf32>
      tpu.vector_store %arg14[%swap3A_187, %swap3A_188], %swap3A_191 {strides = array<i32>} : memref<80x128xf32, #tpu.memory_space<vmem>>, vector<1x16xf32>,
      %get3A_192 = arith.index_cast %scan3A_141 : i32 to index
      %get3A_193 = arith.constant 48 : index
      %get3A_194 = tpu.vector_load %arg8[%get3A_192, %get3A_193] {strides = array<i32>} : memref<80x128xf32, #tpu.memory_space<vmem>>, vector<1x16xf32>,
      %get3A_195 = vector.shape_cast %get3A_194 : vector<1x16xf32> to vector<16xf32>
      %get3A_196 = arith.index_cast %scan3A_141 : i32 to index
      %get3A_197 = arith.constant 48 : index
      %get3A_198 = tpu.vector_load %arg11[%get3A_196, %get3A_197] {strides = array<i32>} : memref<80x128xf32, #tpu.memory_space<vmem>>, vector<1x16xf32>,
      %get3A_199 = vector.shape_cast %get3A_198 : vector<1x16xf32> to vector<16xf32>
      %add3A_200 = arith.addf %get3A_195, %get3A_199 : vector<16xf32>
      %mul3A_201 = arith.constant 5.000000e-01 : f32
      %mul3A_202 = vector.broadcast %mul3A_201 : f32 to vector<16xf32>
      %mul3A_203 = arith.mulf %add3A_200, %mul3A_202 : vector<16xf32>
      %swap3A_204 = arith.index_cast %scan3A_141 : i32 to index
      %swap3A_205 = arith.constant 48 : index
      %swap3A_206 = tpu.vector_load %arg14[%swap3A_204, %swap3A_205] {strides = array<i32>} : memref<80x128xf32, #tpu.memory_space<vmem>>, vector<1x16xf32>,
      %swap3A_207 = vector.shape_cast %swap3A_206 : vector<1x16xf32> to vector<16xf32>
      %swap3A_208 = vector.shape_cast %mul3A_203 : vector<16xf32> to vector<1x16xf32>
      tpu.vector_store %arg14[%swap3A_204, %swap3A_205], %swap3A_208 {strides = array<i32>} : memref<80x128xf32, #tpu.memory_space<vmem>>, vector<1x16xf32>,
      %get3A_209 = arith.index_cast %scan3A_141 : i32 to index
      %get3A_210 = arith.constant 64 : index
      %get3A_211 = tpu.vector_load %arg8[%get3A_209, %get3A_210] {strides = array<i32>} : memref<80x128xf32, #tpu.memory_space<vmem>>, vector<1x16xf32>,
      %get3A_212 = vector.shape_cast %get3A_211 : vector<1x16xf32> to vector<16xf32>
      %get3A_213 = arith.index_cast %scan3A_141 : i32 to index
      %get3A_214 = arith.constant 64 : index
      %get3A_215 = tpu.vector_load %arg11[%get3A_213, %get3A_214] {strides = array<i32>} : memref<80x128xf32, #tpu.memory_space<vmem>>, vector<1x16xf32>,
      %get3A_216 = vector.shape_cast %get3A_215 : vector<1x16xf32> to vector<16xf32>
      %add3A_217 = arith.addf %get3A_212, %get3A_216 : vector<16xf32>
      %mul3A_218 = arith.constant 5.000000e-01 : f32
      %mul3A_219 = vector.broadcast %mul3A_218 : f32 to vector<16xf32>
      %mul3A_220 = arith.mulf %add3A_217, %mul3A_219 : vector<16xf32>
      %swap3A_221 = arith.index_cast %scan3A_141 : i32 to index
      %swap3A_222 = arith.constant 64 : index
      %swap3A_223 = tpu.vector_load %arg14[%swap3A_221, %swap3A_222] {strides = array<i32>} : memref<80x128xf32, #tpu.memory_space<vmem>>, vector<1x16xf32>,
      %swap3A_224 = vector.shape_cast %swap3A_223 : vector<1x16xf32> to vector<16xf32>
      %swap3A_225 = vector.shape_cast %mul3A_220 : vector<16xf32> to vector<1x16xf32>
      tpu.vector_store %arg14[%swap3A_221, %swap3A_222], %swap3A_225 {strides = array<i32>} : memref<80x128xf32, #tpu.memory_space<vmem>>, vector<1x16xf32>,
      %get3A_226 = arith.index_cast %scan3A_141 : i32 to index
      %get3A_227 = arith.constant 80 : index
      %get3A_228 = tpu.vector_load %arg8[%get3A_226, %get3A_227] {strides = array<i32>} : memref<80x128xf32, #tpu.memory_space<vmem>>, vector<1x16xf32>,
      %get3A_229 = vector.shape_cast %get3A_228 : vector<1x16xf32> to vector<16xf32>
      %get3A_230 = arith.index_cast %scan3A_141 : i32 to index
      %get3A_231 = arith.constant 80 : index
      %get3A_232 = tpu.vector_load %arg11[%get3A_230, %get3A_231] {strides = array<i32>} : memref<80x128xf32, #tpu.memory_space<vmem>>, vector<1x16xf32>,
      %get3A_233 = vector.shape_cast %get3A_232 : vector<1x16xf32> to vector<16xf32>
      %add3A_234 = arith.addf %get3A_229, %get3A_233 : vector<16xf32>
      %mul3A_235 = arith.constant 5.000000e-01 : f32
      %mul3A_236 = vector.broadcast %mul3A_235 : f32 to vector<16xf32>
      %mul3A_237 = arith.mulf %add3A_234, %mul3A_236 : vector<16xf32>
      %swap3A_238 = arith.index_cast %scan3A_141 : i32 to index
      %swap3A_239 = arith.constant 80 : index
      %swap3A_240 = tpu.vector_load %arg14[%swap3A_238, %swap3A_239] {strides = array<i32>} : memref<80x128xf32, #tpu.memory_space<vmem>>, vector<1x16xf32>,
      %swap3A_241 = vector.shape_cast %swap3A_240 : vector<1x16xf32> to vector<16xf32>
      %swap3A_242 = vector.shape_cast %mul3A_237 : vector<16xf32> to vector<1x16xf32>
      tpu.vector_store %arg14[%swap3A_238, %swap3A_239], %swap3A_242 {strides = array<i32>} : memref<80x128xf32, #tpu.memory_space<vmem>>, vector<1x16xf32>,
      %get3A_243 = arith.index_cast %scan3A_141 : i32 to index
      %get3A_244 = arith.constant 96 : index
      %get3A_245 = tpu.vector_load %arg8[%get3A_243, %get3A_244] {strides = array<i32>} : memref<80x128xf32, #tpu.memory_space<vmem>>, vector<1x16xf32>,
      %get3A_246 = vector.shape_cast %get3A_245 : vector<1x16xf32> to vector<16xf32>
      %get3A_247 = arith.index_cast %scan3A_141 : i32 to index
      %get3A_248 = arith.constant 96 : index
      %get3A_249 = tpu.vector_load %arg11[%get3A_247, %get3A_248] {strides = array<i32>} : memref<80x128xf32, #tpu.memory_space<vmem>>, vector<1x16xf32>,
      %get3A_250 = vector.shape_cast %get3A_249 : vector<1x16xf32> to vector<16xf32>
      %add3A_251 = arith.addf %get3A_246, %get3A_250 : vector<16xf32>
      %mul3A_252 = arith.constant 5.000000e-01 : f32
      %mul3A_253 = vector.broadcast %mul3A_252 : f32 to vector<16xf32>
      %mul3A_254 = arith.mulf %add3A_251, %mul3A_253 : vector<16xf32>
      %swap3A_255 = arith.index_cast %scan3A_141 : i32 to index
      %swap3A_256 = arith.constant 96 : index
      %swap3A_257 = tpu.vector_load %arg14[%swap3A_255, %swap3A_256] {strides = array<i32>} : memref<80x128xf32, #tpu.memory_space<vmem>>, vector<1x16xf32>,
      %swap3A_258 = vector.shape_cast %swap3A_257 : vector<1x16xf32> to vector<16xf32>
      %swap3A_259 = vector.shape_cast %mul3A_254 : vector<16xf32> to vector<1x16xf32>
      tpu.vector_store %arg14[%swap3A_255, %swap3A_256], %swap3A_259 {strides = array<i32>} : memref<80x128xf32, #tpu.memory_space<vmem>>, vector<1x16xf32>,
      %get3A_260 = arith.index_cast %scan3A_141 : i32 to index
      %get3A_261 = arith.constant 112 : index
      %get3A_262 = tpu.vector_load %arg8[%get3A_260, %get3A_261] {strides = array<i32>} : memref<80x128xf32, #tpu.memory_space<vmem>>, vector<1x16xf32>,
      %get3A_263 = vector.shape_cast %get3A_262 : vector<1x16xf32> to vector<16xf32>
      %get3A_264 = arith.index_cast %scan3A_141 : i32 to index
      %get3A_265 = arith.constant 112 : index
      %get3A_266 = tpu.vector_load %arg11[%get3A_264, %get3A_265] {strides = array<i32>} : memref<80x128xf32, #tpu.memory_space<vmem>>, vector<1x16xf32>,
      %get3A_267 = vector.shape_cast %get3A_266 : vector<1x16xf32> to vector<16xf32>
      %add3A_268 = arith.addf %get3A_263, %get3A_267 : vector<16xf32>
      %mul3A_269 = arith.constant 5.000000e-01 : f32
      %mul3A_270 = vector.broadcast %mul3A_269 : f32 to vector<16xf32>
      %mul3A_271 = arith.mulf %add3A_268, %mul3A_270 : vector<16xf32>
      %swap3A_272 = arith.index_cast %scan3A_141 : i32 to index
      %swap3A_273 = arith.constant 112 : index
      %swap3A_274 = tpu.vector_load %arg14[%swap3A_272, %swap3A_273] {strides = array<i32>} : memref<80x128xf32, #tpu.memory_space<vmem>>, vector<1x16xf32>,
      %swap3A_275 = vector.shape_cast %swap3A_274 : vector<1x16xf32> to vector<16xf32>
      %swap3A_276 = vector.shape_cast %mul3A_271 : vector<16xf32> to vector<1x16xf32>
      tpu.vector_store %arg14[%swap3A_272, %swap3A_273], %swap3A_276 {strides = array<i32>} : memref<80x128xf32, #tpu.memory_space<vmem>>, vector<1x16xf32>,
      %scan3A_277 = arith.constant 0 : i32
      scf.yield %scan3A_277 : i32
    }
    %scan3A_66 = arith.constant 80 : i32
    %mul3A_67 = arith.constant 123 : i32
    %mul3A_68 = arith.constant 80 : i32
    %mul3A_69 = arith.muli %mul3A_67, %mul3A_68 : i32
    %add3A_70 = arith.addi %mul3A_2, %mul3A_69 : i32
    %dma_start3A_71 = arith.constant 0 : i32
    %dma_start3A_72 = tpu.memref_slice %arg4[%add3A_70, %dma_start3A_71] : memref<320000x128xf32, #tpu.memory_space<hbm>> -> memref<80x128xf32, #tpu.memory_space<hbm>>
    %dma_start3A_73 = arith.constant 0 : i32
    %dma_start3A_74 = tpu.memref_slice %arg4[%add3A_70, %dma_start3A_73] : memref<320000x128xf32, #tpu.memory_space<hbm>> -> memref<80x128xf32, #tpu.memory_space<hbm>>
    tpu.enqueue_dma source(%arg14 : memref<80x128xf32, #tpu.memory_space<vmem>>) target(%dma_start3A_74 : memref<80x128xf32, #tpu.memory_space<hbm>>) target_semaphore(%arg26 : memref<!tpu.dma_semaphore, #tpu.memory_space<semaphore_mem>>)
    %add3A_75 = arith.constant 124 : i32
    %add3A_76 = arith.constant 2 : i32
    %add3A_77 = arith.addi %add3A_75, %add3A_76 : i32
    %lt3A_78 = arith.constant 125 : i32
    %lt3A_79 = arith.cmpi slt, %add3A_77, %lt3A_78 : i32
    %convert_element_type3A_80 = arith.extui %lt3A_79 : i1 to i32
    %cond3A_81 = arith.constant 124 : i32
    %cond3A_82 = arith.constant 0 : i32
    %cond3A_83 = arith.cmpi ne, %convert_element_type3A_80, %cond3A_82 : i32
    scf.if %cond3A_83 {
      %dma_wait3A_141 = arith.constant 0 : i32
      %dma_wait3A_142 = tpu.memref_slice %arg3[%dma_wait3A_141] : memref<320000xi32, #tpu.memory_space<hbm>> -> memref<80xi32, #tpu.memory_space<hbm>>
      %dma_wait3A_143 = arith.constant 0 : i32
      %dma_wait3A_144 = tpu.memref_slice %arg3[%dma_wait3A_143] : memref<320000xi32, #tpu.memory_space<hbm>> -> memref<80xi32, #tpu.memory_space<hbm>>
      tpu.wait_dma2 semaphore(%arg17 : memref<!tpu.dma_semaphore, #tpu.memory_space<semaphore_mem>>) src(%dma_wait3A_144 : memref<80xi32, #tpu.memory_space<hbm>>) dst(%arg5 : memref<80xi32, #tpu.memory_space<vmem>>)
      %add3A_145 = arith.constant 2 : i32
      %add3A_146 = arith.addi %cond3A_81, %add3A_145 : i32
      %mul3A_147 = arith.constant 80 : i32
      %mul3A_148 = arith.muli %add3A_146, %mul3A_147 : i32
      %add3A_149 = arith.addi %mul3A_2, %mul3A_148 : i32
      %dma_start3A_150 = arith.constant 0 : i32
      %dma_start3A_151 = arith.constant 0 : i32
      %dma_start3A_152 = tpu.memref_slice %arg2[%dma_start3A_150, %dma_start3A_151] : memref<320000x128xf32, #tpu.memory_space<hbm>> -> memref<320000x128xf32, #tpu.memory_space<hbm>>
      tpu.enqueue_indirect_dma source(%dma_start3A_152 : memref<320000x128xf32, #tpu.memory_space<hbm>>) target(%arg8 : memref<80x128xf32, #tpu.memory_space<vmem>>) offsets(%arg5 : memref<80xi32, #tpu.memory_space<vmem>>) semaphore(%arg20 : memref<!tpu.dma_semaphore, #tpu.memory_space<semaphore_mem>>)
      %dma_start3A_153 = arith.constant 0 : i32
      %dma_start3A_154 = tpu.memref_slice %arg2[%add3A_149, %dma_start3A_153] : memref<320000x128xf32, #tpu.memory_space<hbm>> -> memref<80x128xf32, #tpu.memory_space<hbm>>
      %dma_start3A_155 = arith.constant 0 : i32
      %dma_start3A_156 = tpu.memref_slice %arg2[%add3A_149, %dma_start3A_155] : memref<320000x128xf32, #tpu.memory_space<hbm>> -> memref<80x128xf32, #tpu.memory_space<hbm>>
      tpu.enqueue_dma source(%dma_start3A_156 : memref<80x128xf32, #tpu.memory_space<hbm>>) target(%arg11 : memref<80x128xf32, #tpu.memory_space<vmem>>) target_semaphore(%arg23 : memref<!tpu.dma_semaphore, #tpu.memory_space<semaphore_mem>>)
    } else {
    }
    %dma_wait3A_84 = arith.constant 0 : i32
    %dma_wait3A_85 = arith.constant 0 : i32
    %dma_wait3A_86 = tpu.memref_slice %arg2[%dma_wait3A_84, %dma_wait3A_85] : memref<320000x128xf32, #tpu.memory_space<hbm>> -> memref<320000x128xf32, #tpu.memory_space<hbm>>
    tpu.wait_indirect_dma semaphore(%arg21 : memref<!tpu.dma_semaphore, #tpu.memory_space<semaphore_mem>>) src(%dma_wait3A_86 : memref<320000x128xf32, #tpu.memory_space<hbm>>) dst(%arg9 : memref<80x128xf32, #tpu.memory_space<vmem>>)
    %dma_wait3A_87 = arith.constant 0 : i32
    %dma_wait3A_88 = arith.constant 0 : i32
    %dma_wait3A_89 = tpu.memref_slice %arg2[%dma_wait3A_87, %dma_wait3A_88] : memref<320000x128xf32, #tpu.memory_space<hbm>> -> memref<80x128xf32, #tpu.memory_space<hbm>>
    %dma_wait3A_90 = arith.constant 0 : i32
    %dma_wait3A_91 = arith.constant 0 : i32
    %dma_wait3A_92 = tpu.memref_slice %arg2[%dma_wait3A_90, %dma_wait3A_91] : memref<320000x128xf32, #tpu.memory_space<hbm>> -> memref<80x128xf32, #tpu.memory_space<hbm>>
    tpu.wait_dma2 semaphore(%arg24 : memref<!tpu.dma_semaphore, #tpu.memory_space<semaphore_mem>>) src(%dma_wait3A_92 : memref<80x128xf32, #tpu.memory_space<hbm>>) dst(%arg12 : memref<80x128xf32, #tpu.memory_space<vmem>>)
    %add3A_93 = arith.constant 124 : i32
    %add3A_94 = arith.constant 3 : i32
    %add3A_95 = arith.addi %add3A_93, %add3A_94 : i32
    %lt3A_96 = arith.constant 125 : i32
    %lt3A_97 = arith.cmpi slt, %add3A_95, %lt3A_96 : i32
    %convert_element_type3A_98 = arith.extui %lt3A_97 : i1 to i32
    %cond3A_99 = arith.constant 124 : i32
    %cond3A_100 = arith.constant 0 : i32
    %cond3A_101 = arith.cmpi ne, %convert_element_type3A_98, %cond3A_100 : i32
    scf.if %cond3A_101 {
      %add3A_141 = arith.constant 3 : i32
      %add3A_142 = arith.addi %cond3A_99, %add3A_141 : i32
      %mul3A_143 = arith.constant 80 : i32
      %mul3A_144 = arith.muli %add3A_142, %mul3A_143 : i32
      %add3A_145 = arith.addi %mul3A_2, %mul3A_144 : i32
      %dma_start3A_146 = tpu.memref_slice %arg3[%add3A_145] : memref<320000xi32, #tpu.memory_space<hbm>> -> memref<80xi32, #tpu.memory_space<hbm>>
      %dma_start3A_147 = tpu.memref_slice %arg3[%add3A_145] : memref<320000xi32, #tpu.memory_space<hbm>> -> memref<80xi32, #tpu.memory_space<hbm>>
      tpu.enqueue_dma source(%dma_start3A_147 : memref<80xi32, #tpu.memory_space<hbm>>) target(%arg6 : memref<80xi32, #tpu.memory_space<vmem>>) target_semaphore(%arg18 : memref<!tpu.dma_semaphore, #tpu.memory_space<semaphore_mem>>)
    } else {
    }
    %ge3A_102 = arith.constant 124 : i32
    %ge3A_103 = arith.constant 3 : i32
    %ge3A_104 = arith.cmpi sge, %ge3A_102, %ge3A_103 : i32
    %convert_element_type3A_105 = arith.extui %ge3A_104 : i1 to i32
    %cond3A_106 = arith.constant 0 : i32
    %cond3A_107 = arith.cmpi ne, %convert_element_type3A_105, %cond3A_106 : i32
    scf.if %cond3A_107 {
      %dma_wait3A_141 = arith.constant 0 : i32
      %dma_wait3A_142 = arith.constant 0 : i32
      %dma_wait3A_143 = tpu.memref_slice %arg4[%dma_wait3A_141, %dma_wait3A_142] : memref<320000x128xf32, #tpu.memory_space<hbm>> -> memref<80x128xf32, #tpu.memory_space<hbm>>
      %dma_wait3A_144 = arith.constant 0 : i32
      %dma_wait3A_145 = arith.constant 0 : i32
      %dma_wait3A_146 = tpu.memref_slice %arg4[%dma_wait3A_144, %dma_wait3A_145] : memref<320000x128xf32, #tpu.memory_space<hbm>> -> memref<80x128xf32, #tpu.memory_space<hbm>>
      tpu.wait_dma2 semaphore(%arg27 : memref<!tpu.dma_semaphore, #tpu.memory_space<semaphore_mem>>) src(%arg15 : memref<80x128xf32, #tpu.memory_space<vmem>>) dst(%dma_wait3A_146 : memref<80x128xf32, #tpu.memory_space<hbm>>)
    } else {
    }
    %scan3A_108 = arith.constant 0 : i32
    %scan3A_109 = arith.constant 0 : i32
    %scan3A_110 = arith.constant 80 : i32
    %scan3A_111 = arith.addi %scan3A_109, %scan3A_110 : i32
    %scan3A_112 = arith.constant 1 : i32
    %scan3A_113 = scf.for %scan3A_141 = %scan3A_109 to %scan3A_111 step %scan3A_112 iter_args(%scan3A_142 = %scan3A_108) -> (i32)  : i32 {
      %get3A = arith.index_cast %scan3A_141 : i32 to index
      %get3A_143 = arith.constant 0 : index
      %get3A_144 = tpu.vector_load %arg9[%get3A, %get3A_143] {strides = array<i32>} : memref<80x128xf32, #tpu.memory_space<vmem>>, vector<1x16xf32>,
      %get3A_145 = vector.shape_cast %get3A_144 : vector<1x16xf32> to vector<16xf32>
      %get3A_146 = arith.index_cast %scan3A_141 : i32 to index
      %get3A_147 = arith.constant 0 : index
      %get3A_148 = tpu.vector_load %arg12[%get3A_146, %get3A_147] {strides = array<i32>} : memref<80x128xf32, #tpu.memory_space<vmem>>, vector<1x16xf32>,
      %get3A_149 = vector.shape_cast %get3A_148 : vector<1x16xf32> to vector<16xf32>
      %add3A_150 = arith.addf %get3A_145, %get3A_149 : vector<16xf32>
      %mul3A_151 = arith.constant 5.000000e-01 : f32
      %mul3A_152 = vector.broadcast %mul3A_151 : f32 to vector<16xf32>
      %mul3A_153 = arith.mulf %add3A_150, %mul3A_152 : vector<16xf32>
      %swap3A = arith.index_cast %scan3A_141 : i32 to index
      %swap3A_154 = arith.constant 0 : index
      %swap3A_155 = tpu.vector_load %arg15[%swap3A, %swap3A_154] {strides = array<i32>} : memref<80x128xf32, #tpu.memory_space<vmem>>, vector<1x16xf32>,
      %swap3A_156 = vector.shape_cast %swap3A_155 : vector<1x16xf32> to vector<16xf32>
      %swap3A_157 = vector.shape_cast %mul3A_153 : vector<16xf32> to vector<1x16xf32>
      tpu.vector_store %arg15[%swap3A, %swap3A_154], %swap3A_157 {strides = array<i32>} : memref<80x128xf32, #tpu.memory_space<vmem>>, vector<1x16xf32>,
      %get3A_158 = arith.index_cast %scan3A_141 : i32 to index
      %get3A_159 = arith.constant 16 : index
      %get3A_160 = tpu.vector_load %arg9[%get3A_158, %get3A_159] {strides = array<i32>} : memref<80x128xf32, #tpu.memory_space<vmem>>, vector<1x16xf32>,
      %get3A_161 = vector.shape_cast %get3A_160 : vector<1x16xf32> to vector<16xf32>
      %get3A_162 = arith.index_cast %scan3A_141 : i32 to index
      %get3A_163 = arith.constant 16 : index
      %get3A_164 = tpu.vector_load %arg12[%get3A_162, %get3A_163] {strides = array<i32>} : memref<80x128xf32, #tpu.memory_space<vmem>>, vector<1x16xf32>,
      %get3A_165 = vector.shape_cast %get3A_164 : vector<1x16xf32> to vector<16xf32>
      %add3A_166 = arith.addf %get3A_161, %get3A_165 : vector<16xf32>
      %mul3A_167 = arith.constant 5.000000e-01 : f32
      %mul3A_168 = vector.broadcast %mul3A_167 : f32 to vector<16xf32>
      %mul3A_169 = arith.mulf %add3A_166, %mul3A_168 : vector<16xf32>
      %swap3A_170 = arith.index_cast %scan3A_141 : i32 to index
      %swap3A_171 = arith.constant 16 : index
      %swap3A_172 = tpu.vector_load %arg15[%swap3A_170, %swap3A_171] {strides = array<i32>} : memref<80x128xf32, #tpu.memory_space<vmem>>, vector<1x16xf32>,
      %swap3A_173 = vector.shape_cast %swap3A_172 : vector<1x16xf32> to vector<16xf32>
      %swap3A_174 = vector.shape_cast %mul3A_169 : vector<16xf32> to vector<1x16xf32>
      tpu.vector_store %arg15[%swap3A_170, %swap3A_171], %swap3A_174 {strides = array<i32>} : memref<80x128xf32, #tpu.memory_space<vmem>>, vector<1x16xf32>,
      %get3A_175 = arith.index_cast %scan3A_141 : i32 to index
      %get3A_176 = arith.constant 32 : index
      %get3A_177 = tpu.vector_load %arg9[%get3A_175, %get3A_176] {strides = array<i32>} : memref<80x128xf32, #tpu.memory_space<vmem>>, vector<1x16xf32>,
      %get3A_178 = vector.shape_cast %get3A_177 : vector<1x16xf32> to vector<16xf32>
      %get3A_179 = arith.index_cast %scan3A_141 : i32 to index
      %get3A_180 = arith.constant 32 : index
      %get3A_181 = tpu.vector_load %arg12[%get3A_179, %get3A_180] {strides = array<i32>} : memref<80x128xf32, #tpu.memory_space<vmem>>, vector<1x16xf32>,
      %get3A_182 = vector.shape_cast %get3A_181 : vector<1x16xf32> to vector<16xf32>
      %add3A_183 = arith.addf %get3A_178, %get3A_182 : vector<16xf32>
      %mul3A_184 = arith.constant 5.000000e-01 : f32
      %mul3A_185 = vector.broadcast %mul3A_184 : f32 to vector<16xf32>
      %mul3A_186 = arith.mulf %add3A_183, %mul3A_185 : vector<16xf32>
      %swap3A_187 = arith.index_cast %scan3A_141 : i32 to index
      %swap3A_188 = arith.constant 32 : index
      %swap3A_189 = tpu.vector_load %arg15[%swap3A_187, %swap3A_188] {strides = array<i32>} : memref<80x128xf32, #tpu.memory_space<vmem>>, vector<1x16xf32>,
      %swap3A_190 = vector.shape_cast %swap3A_189 : vector<1x16xf32> to vector<16xf32>
      %swap3A_191 = vector.shape_cast %mul3A_186 : vector<16xf32> to vector<1x16xf32>
      tpu.vector_store %arg15[%swap3A_187, %swap3A_188], %swap3A_191 {strides = array<i32>} : memref<80x128xf32, #tpu.memory_space<vmem>>, vector<1x16xf32>,
      %get3A_192 = arith.index_cast %scan3A_141 : i32 to index
      %get3A_193 = arith.constant 48 : index
      %get3A_194 = tpu.vector_load %arg9[%get3A_192, %get3A_193] {strides = array<i32>} : memref<80x128xf32, #tpu.memory_space<vmem>>, vector<1x16xf32>,
      %get3A_195 = vector.shape_cast %get3A_194 : vector<1x16xf32> to vector<16xf32>
      %get3A_196 = arith.index_cast %scan3A_141 : i32 to index
      %get3A_197 = arith.constant 48 : index
      %get3A_198 = tpu.vector_load %arg12[%get3A_196, %get3A_197] {strides = array<i32>} : memref<80x128xf32, #tpu.memory_space<vmem>>, vector<1x16xf32>,
      %get3A_199 = vector.shape_cast %get3A_198 : vector<1x16xf32> to vector<16xf32>
      %add3A_200 = arith.addf %get3A_195, %get3A_199 : vector<16xf32>
      %mul3A_201 = arith.constant 5.000000e-01 : f32
      %mul3A_202 = vector.broadcast %mul3A_201 : f32 to vector<16xf32>
      %mul3A_203 = arith.mulf %add3A_200, %mul3A_202 : vector<16xf32>
      %swap3A_204 = arith.index_cast %scan3A_141 : i32 to index
      %swap3A_205 = arith.constant 48 : index
      %swap3A_206 = tpu.vector_load %arg15[%swap3A_204, %swap3A_205] {strides = array<i32>} : memref<80x128xf32, #tpu.memory_space<vmem>>, vector<1x16xf32>,
      %swap3A_207 = vector.shape_cast %swap3A_206 : vector<1x16xf32> to vector<16xf32>
      %swap3A_208 = vector.shape_cast %mul3A_203 : vector<16xf32> to vector<1x16xf32>
      tpu.vector_store %arg15[%swap3A_204, %swap3A_205], %swap3A_208 {strides = array<i32>} : memref<80x128xf32, #tpu.memory_space<vmem>>, vector<1x16xf32>,
      %get3A_209 = arith.index_cast %scan3A_141 : i32 to index
      %get3A_210 = arith.constant 64 : index
      %get3A_211 = tpu.vector_load %arg9[%get3A_209, %get3A_210] {strides = array<i32>} : memref<80x128xf32, #tpu.memory_space<vmem>>, vector<1x16xf32>,
      %get3A_212 = vector.shape_cast %get3A_211 : vector<1x16xf32> to vector<16xf32>
      %get3A_213 = arith.index_cast %scan3A_141 : i32 to index
      %get3A_214 = arith.constant 64 : index
      %get3A_215 = tpu.vector_load %arg12[%get3A_213, %get3A_214] {strides = array<i32>} : memref<80x128xf32, #tpu.memory_space<vmem>>, vector<1x16xf32>,
      %get3A_216 = vector.shape_cast %get3A_215 : vector<1x16xf32> to vector<16xf32>
      %add3A_217 = arith.addf %get3A_212, %get3A_216 : vector<16xf32>
      %mul3A_218 = arith.constant 5.000000e-01 : f32
      %mul3A_219 = vector.broadcast %mul3A_218 : f32 to vector<16xf32>
      %mul3A_220 = arith.mulf %add3A_217, %mul3A_219 : vector<16xf32>
      %swap3A_221 = arith.index_cast %scan3A_141 : i32 to index
      %swap3A_222 = arith.constant 64 : index
      %swap3A_223 = tpu.vector_load %arg15[%swap3A_221, %swap3A_222] {strides = array<i32>} : memref<80x128xf32, #tpu.memory_space<vmem>>, vector<1x16xf32>,
      %swap3A_224 = vector.shape_cast %swap3A_223 : vector<1x16xf32> to vector<16xf32>
      %swap3A_225 = vector.shape_cast %mul3A_220 : vector<16xf32> to vector<1x16xf32>
      tpu.vector_store %arg15[%swap3A_221, %swap3A_222], %swap3A_225 {strides = array<i32>} : memref<80x128xf32, #tpu.memory_space<vmem>>, vector<1x16xf32>,
      %get3A_226 = arith.index_cast %scan3A_141 : i32 to index
      %get3A_227 = arith.constant 80 : index
      %get3A_228 = tpu.vector_load %arg9[%get3A_226, %get3A_227] {strides = array<i32>} : memref<80x128xf32, #tpu.memory_space<vmem>>, vector<1x16xf32>,
      %get3A_229 = vector.shape_cast %get3A_228 : vector<1x16xf32> to vector<16xf32>
      %get3A_230 = arith.index_cast %scan3A_141 : i32 to index
      %get3A_231 = arith.constant 80 : index
      %get3A_232 = tpu.vector_load %arg12[%get3A_230, %get3A_231] {strides = array<i32>} : memref<80x128xf32, #tpu.memory_space<vmem>>, vector<1x16xf32>,
      %get3A_233 = vector.shape_cast %get3A_232 : vector<1x16xf32> to vector<16xf32>
      %add3A_234 = arith.addf %get3A_229, %get3A_233 : vector<16xf32>
      %mul3A_235 = arith.constant 5.000000e-01 : f32
      %mul3A_236 = vector.broadcast %mul3A_235 : f32 to vector<16xf32>
      %mul3A_237 = arith.mulf %add3A_234, %mul3A_236 : vector<16xf32>
      %swap3A_238 = arith.index_cast %scan3A_141 : i32 to index
      %swap3A_239 = arith.constant 80 : index
      %swap3A_240 = tpu.vector_load %arg15[%swap3A_238, %swap3A_239] {strides = array<i32>} : memref<80x128xf32, #tpu.memory_space<vmem>>, vector<1x16xf32>,
      %swap3A_241 = vector.shape_cast %swap3A_240 : vector<1x16xf32> to vector<16xf32>
      %swap3A_242 = vector.shape_cast %mul3A_237 : vector<16xf32> to vector<1x16xf32>
      tpu.vector_store %arg15[%swap3A_238, %swap3A_239], %swap3A_242 {strides = array<i32>} : memref<80x128xf32, #tpu.memory_space<vmem>>, vector<1x16xf32>,
      %get3A_243 = arith.index_cast %scan3A_141 : i32 to index
      %get3A_244 = arith.constant 96 : index
      %get3A_245 = tpu.vector_load %arg9[%get3A_243, %get3A_244] {strides = array<i32>} : memref<80x128xf32, #tpu.memory_space<vmem>>, vector<1x16xf32>,
      %get3A_246 = vector.shape_cast %get3A_245 : vector<1x16xf32> to vector<16xf32>
      %get3A_247 = arith.index_cast %scan3A_141 : i32 to index
      %get3A_248 = arith.constant 96 : index
      %get3A_249 = tpu.vector_load %arg12[%get3A_247, %get3A_248] {strides = array<i32>} : memref<80x128xf32, #tpu.memory_space<vmem>>, vector<1x16xf32>,
      %get3A_250 = vector.shape_cast %get3A_249 : vector<1x16xf32> to vector<16xf32>
      %add3A_251 = arith.addf %get3A_246, %get3A_250 : vector<16xf32>
      %mul3A_252 = arith.constant 5.000000e-01 : f32
      %mul3A_253 = vector.broadcast %mul3A_252 : f32 to vector<16xf32>
      %mul3A_254 = arith.mulf %add3A_251, %mul3A_253 : vector<16xf32>
      %swap3A_255 = arith.index_cast %scan3A_141 : i32 to index
      %swap3A_256 = arith.constant 96 : index
      %swap3A_257 = tpu.vector_load %arg15[%swap3A_255, %swap3A_256] {strides = array<i32>} : memref<80x128xf32, #tpu.memory_space<vmem>>, vector<1x16xf32>,
      %swap3A_258 = vector.shape_cast %swap3A_257 : vector<1x16xf32> to vector<16xf32>
      %swap3A_259 = vector.shape_cast %mul3A_254 : vector<16xf32> to vector<1x16xf32>
      tpu.vector_store %arg15[%swap3A_255, %swap3A_256], %swap3A_259 {strides = array<i32>} : memref<80x128xf32, #tpu.memory_space<vmem>>, vector<1x16xf32>,
      %get3A_260 = arith.index_cast %scan3A_141 : i32 to index
      %get3A_261 = arith.constant 112 : index
      %get3A_262 = tpu.vector_load %arg9[%get3A_260, %get3A_261] {strides = array<i32>} : memref<80x128xf32, #tpu.memory_space<vmem>>, vector<1x16xf32>,
      %get3A_263 = vector.shape_cast %get3A_262 : vector<1x16xf32> to vector<16xf32>
      %get3A_264 = arith.index_cast %scan3A_141 : i32 to index
      %get3A_265 = arith.constant 112 : index
      %get3A_266 = tpu.vector_load %arg12[%get3A_264, %get3A_265] {strides = array<i32>} : memref<80x128xf32, #tpu.memory_space<vmem>>, vector<1x16xf32>,
      %get3A_267 = vector.shape_cast %get3A_266 : vector<1x16xf32> to vector<16xf32>
      %add3A_268 = arith.addf %get3A_263, %get3A_267 : vector<16xf32>
      %mul3A_269 = arith.constant 5.000000e-01 : f32
      %mul3A_270 = vector.broadcast %mul3A_269 : f32 to vector<16xf32>
      %mul3A_271 = arith.mulf %add3A_268, %mul3A_270 : vector<16xf32>
      %swap3A_272 = arith.index_cast %scan3A_141 : i32 to index
      %swap3A_273 = arith.constant 112 : index
      %swap3A_274 = tpu.vector_load %arg15[%swap3A_272, %swap3A_273] {strides = array<i32>} : memref<80x128xf32, #tpu.memory_space<vmem>>, vector<1x16xf32>,
      %swap3A_275 = vector.shape_cast %swap3A_274 : vector<1x16xf32> to vector<16xf32>
      %swap3A_276 = vector.shape_cast %mul3A_271 : vector<16xf32> to vector<1x16xf32>
      tpu.vector_store %arg15[%swap3A_272, %swap3A_273], %swap3A_276 {strides = array<i32>} : memref<80x128xf32, #tpu.memory_space<vmem>>, vector<1x16xf32>,
      %scan3A_277 = arith.constant 0 : i32
      scf.yield %scan3A_277 : i32
    }
    %scan3A_114 = arith.constant 80 : i32
    %mul3A_115 = arith.constant 124 : i32
    %mul3A_116 = arith.constant 80 : i32
    %mul3A_117 = arith.muli %mul3A_115, %mul3A_116 : i32
    %add3A_118 = arith.addi %mul3A_2, %mul3A_117 : i32
    %dma_start3A_119 = arith.constant 0 : i32
    %dma_start3A_120 = tpu.memref_slice %arg4[%add3A_118, %dma_start3A_119] : memref<320000x128xf32, #tpu.memory_space<hbm>> -> memref<80x128xf32, #tpu.memory_space<hbm>>
    %dma_start3A_121 = arith.constant 0 : i32
    %dma_start3A_122 = tpu.memref_slice %arg4[%add3A_118, %dma_start3A_121] : memref<320000x128xf32, #tpu.memory_space<hbm>> -> memref<80x128xf32, #tpu.memory_space<hbm>>
    tpu.enqueue_dma source(%arg15 : memref<80x128xf32, #tpu.memory_space<vmem>>) target(%dma_start3A_122 : memref<80x128xf32, #tpu.memory_space<hbm>>) target_semaphore(%arg27 : memref<!tpu.dma_semaphore, #tpu.memory_space<semaphore_mem>>)
    %dma_wait3A_123 = arith.constant 0 : i32
    %dma_wait3A_124 = arith.constant 0 : i32
    %dma_wait3A_125 = tpu.memref_slice %arg4[%dma_wait3A_123, %dma_wait3A_124] : memref<320000x128xf32, #tpu.memory_space<hbm>> -> memref<80x128xf32, #tpu.memory_space<hbm>>
    %dma_wait3A_126 = arith.constant 0 : i32
    %dma_wait3A_127 = arith.constant 0 : i32
    %dma_wait3A_128 = tpu.memref_slice %arg4[%dma_wait3A_126, %dma_wait3A_127] : memref<320000x128xf32, #tpu.memory_space<hbm>> -> memref<80x128xf32, #tpu.memory_space<hbm>>
    tpu.wait_dma2 semaphore(%arg28 : memref<!tpu.dma_semaphore, #tpu.memory_space<semaphore_mem>>) src(%arg16 : memref<80x128xf32, #tpu.memory_space<vmem>>) dst(%dma_wait3A_128 : memref<80x128xf32, #tpu.memory_space<hbm>>)
    %dma_wait3A_129 = arith.constant 0 : i32
    %dma_wait3A_130 = arith.constant 0 : i32
    %dma_wait3A_131 = tpu.memref_slice %arg4[%dma_wait3A_129, %dma_wait3A_130] : memref<320000x128xf32, #tpu.memory_space<hbm>> -> memref<80x128xf32, #tpu.memory_space<hbm>>
    %dma_wait3A_132 = arith.constant 0 : i32
    %dma_wait3A_133 = arith.constant 0 : i32
    %dma_wait3A_134 = tpu.memref_slice %arg4[%dma_wait3A_132, %dma_wait3A_133] : memref<320000x128xf32, #tpu.memory_space<hbm>> -> memref<80x128xf32, #tpu.memory_space<hbm>>
    tpu.wait_dma2 semaphore(%arg26 : memref<!tpu.dma_semaphore, #tpu.memory_space<semaphore_mem>>) src(%arg14 : memref<80x128xf32, #tpu.memory_space<vmem>>) dst(%dma_wait3A_134 : memref<80x128xf32, #tpu.memory_space<hbm>>)
    %dma_wait3A_135 = arith.constant 0 : i32
    %dma_wait3A_136 = arith.constant 0 : i32
    %dma_wait3A_137 = tpu.memref_slice %arg4[%dma_wait3A_135, %dma_wait3A_136] : memref<320000x128xf32, #tpu.memory_space<hbm>> -> memref<80x128xf32, #tpu.memory_space<hbm>>
    %dma_wait3A_138 = arith.constant 0 : i32
    %dma_wait3A_139 = arith.constant 0 : i32
    %dma_wait3A_140 = tpu.memref_slice %arg4[%dma_wait3A_138, %dma_wait3A_139] : memref<320000x128xf32, #tpu.memory_space<hbm>> -> memref<80x128xf32, #tpu.memory_space<hbm>>
    tpu.wait_dma2 semaphore(%arg27 : memref<!tpu.dma_semaphore, #tpu.memory_space<semaphore_mem>>) src(%arg15 : memref<80x128xf32, #tpu.memory_space<vmem>>) dst(%dma_wait3A_140 : memref<80x128xf32, #tpu.memory_space<hbm>>)
    return
  }
}

</mosaic_0001>

<sc_bundles>
// kernel: _message_sym.3.cloned.1.call-start
scs
__scs_entry_jumppad:
0x0: {  	(pc) =	sbr.rel $0x88, $3  }
0x1: {  	(tag) =	ssettag $0x0;
	lr =	simm.s32 $0x1  }
0x2: {  	[smem:$0x3F9F] =	sst lr;
	_ =	strace $0xD0000000  }
0x3: {  	_ = 	snop  }
0x4: {  	_ = 	snop  }
0x5: {  	_ = 	snop  }
0x6: {  	_ = 	snop  }
0x7: {  	_ = 	snop  }
__scs_overlays_trampoline_lowered:
0x8: {  	[smem:$0x3FAE] =	sst s0  }
0x9: {  	[smem:$0x3FAF] =	sst s1  }
0xa: {  	[smem:$0x3FB0] =	sst s2  }
0xb: {  	[smem:$0x3FB1] =	sst s3  }
0xc: {  	[smem:$0x3FB2] =	sst s4  }
0xd: {  	[smem:$0x3FB3] =	sst s5  }
0xe: {  	[smem:$0x3FB4] =	sst s6  }
0xf: {  	[smem:$0x3FB5] =	sst s7  }
0x10: {  	[smem:$0x3FB6] =	sst s8  }
0x11: {  	[smem:$0x3FB7] =	sst s9;
	s0 =	simm.s32 @!p0 $0x0  }
0x12: {  	s1 =	sld [smem:$0x3F9D];
	s0 =	simm.s32 @p0 $0x1  }
0x13: {  	[smem:$0x3FB8] =	sst s0;
	s0 =	simm.s32 @!p1 $0x0  }
0x14: {  	s2 =	sld [smem:$0x3F9C];
	s0 =	simm.s32 @p1 $0x1  }
0x15: {  	[smem:$0x3FB9] =	sst s0;
	s0 =	simm.s32 @!p2 $0x0  }
0x16: {  	s3 =	sld [smem:$0x3FDB];
	s0 =	simm.s32 @p2 $0x1  }
0x17: {  	s4 =	simm.s32 $0x1BF5;
	[smem:$0x3FBB] =	sst s0  }
0x18: {  	s0 =	sld [smem:$0x3F9E];
	_ =	swait.ge [sflag:s4], $0x0  }
0x19: {  	s7 =	sld [smem:$0x3F9F]  }
0x1a: {  	s8 =	sadd.s32 $0xFFFFE003, lr  }
0x1b: {  	s9 =	sadd.s32 $0xFFFFFEF7, lr;
	s5 =	simm.s32 $0xFFFFFFFF;
	p2 =	slt.u32 s8, $0xFFFFF086  }
0x1c: {  	p1 =	slt.u32 s9, $0xF7A;
	s5 =	simm.s32 @!p2 $0x0  }
0x1d: {  	s5 =	simm.s32 @p1 $0x1;
	p0 =	seq.s32 s7, s2  }
0x1e: {  	s7 =	smul.u32 @!p0 $0xF7A, s2;
	p2 =	seq.s32 @!p0 s5, $0x0  }
0x1f: {  	s9 =	smul.u32 $0xF7A, s1;
	s8 =	simm.s32 @!p0 $0x1BF5;
	p2 =	por !p2, p0  }
0x20: {  	[sflag:s8] =	ssyncset.s32 @!p0 $0xFFFFF086;
	s6 =	sadd.s32 @!p0 s3, s7;
	s7 =	simm.s32 @!p0 $0x108  }
0x21: {  	s3 =	sadd.s32 s3, s9;
	s6 =	sadd.s32 @!p0 $0x88, s6;
	s7 =	simm.s32 @p2 $0x1082  }
0x22: {  	[simem:s7], [sflag:s8] =	dma.local @!p0 [hbm:s6], $0xF7A  }
0x23: {  	s9 =	sor.u32 $0xD0000000, s2;
	s6 =	simm.s32 $0x108;
	_ =	swait.ge @!p0 [sflag:s8], $0x0  }
0x24: {  	s3 =	sadd.s32 $0x88, s3;
	s6 =	simm.s32 @!p1 $0x1082;
	[sflag:s4] =	ssyncset.s32 $0xFFFFF086  }
0x25: {  	[simem:s6], [sflag:s4] =	dma.local [hbm:s3], $0xF7A  }
0x26: {  	[smem:$0x3F9F] =	sst s1;
	(tag) =	ssettag s2;
	_ =	strace s9  }
0x27: {  	s1 =	sld [smem:$0x3FAF]  }
0x28: {  	s2 =	sld [smem:$0x3FB0]  }
0x29: {  	s4 =	sld [smem:$0x3FB2]  }
0x2a: {  	p0 =	seq.s32 s5, $0x0;
	s5 =	sld [smem:$0x3FB3]  }
0x2b: {  	s6 =	sld [smem:$0x3FB4]  }
0x2c: {  	s7 =	sld [smem:$0x3FB5]  }
0x2d: {  	s3 =	simm.s32 $0x108;
	s8 =	sld [smem:$0x3FB6]  }
0x2e: {  	s3 =	simm.s32 @!p0 $0x1082;
	s9 =	sld [smem:$0x3FB7]  }
0x2f: {  	lr =	sadd.s32 s0, s3;
	s0 =	sld [smem:$0x3FAE]  }
0x30: {  	s3 =	sld [smem:$0x3FB1]  }
0x31: {  	[smem:$0x3FBA] =	sst s10  }
0x32: {  	s10 =	sld [smem:$0x3FB8];
	_ =	sdelay $0x3  }
0x33: {  	p0 =	seq.s32 s10, $0x1;
	s10 =	sld [smem:$0x3FBA];
	_ =	sdelay $0x3  }
0x34: {  	[smem:$0x3FBA] =	sst s10  }
0x35: {  	s10 =	sld [smem:$0x3FB9];
	_ =	sdelay $0x3  }
0x36: {  	p1 =	seq.s32 s10, $0x1;
	s10 =	sld [smem:$0x3FBA];
	_ =	sdelay $0x3  }
0x37: {  	[smem:$0x3FBA] =	sst s10  }
0x38: {  	s10 =	sld [smem:$0x3FBB]  }
0x39: {  	_ = 	snop;
	(pc) =	sbr.ind lr, $3  }
0x3a: {  	_ = 	snop  }
0x3b: {  	_ = 	snop  }
0x3c: {  	p2 =	seq.s32 s10, $0x1;
	s10 =	sld [smem:$0x3FBA]  }
0x3d: {  	_ =	shalt  }
0x3e: {  	_ =	shalt  }
0x3f: {  	_ =	shalt  }
0x40: {  	_ =	shalt  }
0x41: {  	_ =	shalt  }
0x42: {  	_ =	shalt  }
0x43: {  	_ =	shalt  }
0x44: {  	_ =	shalt  }
0x45: {  	_ =	shalt  }
0x46: {  	_ =	shalt  }
0x47: {  	_ =	shalt  }
0x48: {  	_ =	shalt  }
0x49: {  	_ =	shalt  }
0x4a: {  	_ =	shalt  }
0x4b: {  	_ =	shalt  }
0x4c: {  	_ =	shalt  }
0x4d: {  	_ =	shalt  }
0x4e: {  	_ =	shalt  }
0x4f: {  	_ =	shalt  }
0x50: {  	_ =	shalt  }
0x51: {  	_ =	shalt  }
0x52: {  	_ =	shalt  }
0x53: {  	_ =	shalt  }
0x54: {  	_ =	shalt  }
0x55: {  	_ =	shalt  }
0x56: {  	_ =	shalt  }
0x57: {  	_ =	shalt  }
0x58: {  	_ =	shalt  }
0x59: {  	_ =	shalt  }
0x5a: {  	_ =	shalt  }
0x5b: {  	_ =	shalt  }
0x5c: {  	_ =	shalt  }
0x5d: {  	_ =	shalt  }
0x5e: {  	_ =	shalt  }
0x5f: {  	_ =	shalt  }
0x60: {  	_ =	shalt  }
0x61: {  	_ =	shalt  }
0x62: {  	_ =	shalt  }
0x63: {  	_ =	shalt  }
0x64: {  	_ =	shalt  }
0x65: {  	_ =	shalt  }
0x66: {  	_ =	shalt  }
0x67: {  	_ =	shalt  }
0x68: {  	_ =	shalt  }
0x69: {  	_ =	shalt  }
0x6a: {  	_ =	shalt  }
0x6b: {  	_ =	shalt  }
0x6c: {  	_ =	shalt  }
0x6d: {  	_ =	shalt  }
0x6e: {  	_ =	shalt  }
0x6f: {  	_ =	shalt  }
0x70: {  	_ =	shalt  }
0x71: {  	_ =	shalt  }
0x72: {  	_ =	shalt  }
0x73: {  	_ =	shalt  }
0x74: {  	_ =	shalt  }
0x75: {  	_ =	shalt  }
0x76: {  	_ =	shalt  }
0x77: {  	_ =	shalt  }
0x78: {  	_ =	shalt  }
0x79: {  	_ =	shalt  }
0x7a: {  	_ =	shalt  }
0x7b: {  	_ =	shalt  }
0x7c: {  	_ =	shalt  }
0x7d: {  	_ =	shalt  }
0x7e: {  	_ =	shalt  }
0x7f: {  	_ =	shalt  }
0x80: {  	_ =	shalt  }
0x81: {  	_ =	shalt  }
0x82: {  	_ =	shalt  }
0x83: {  	_ =	shalt  }
0x84: {  	_ =	shalt  }
0x85: {  	_ =	shalt  }
0x86: {  	_ =	shalt  }
0x87: {  	_ =	shalt  }
.Lfunc_end0:
.L_simem_size_0:
called_computation_lowered:
.L_overlay_start_0:
0x88: {  	s2 =	sld [smem:$0x3FD9]  }
0x89: {  	s3 =	sld [smem:$0x3FFE];
	_ =	sdelay $0x1  }
0x8a: {  	s1 =	srdreg.scid  }
0x8b: {  	s0 =	sand.u32 $0x1, s1  }
0x8c: {  	s18 =	sshll.u32 s0, $0xA;
	s2 =	sadd.s32 s3, s2  }
0x8d: {  	s2 =	sadd.s32 s2, s18  }
0x8e: {  	[smem:$0x3FC6] =	sst s2  }
0x8f: {  	_ = 	snop  }
0x90: {  	s2 =	sld [smem:$0x3FC9]  }
0x91: {  	s19 =	sld [smem:$0x3FC8]  }
0x92: {  	s4 =	sld [smem:$0x3FD0];
	(tm) =	ssettm $0x1  }
0x93: {  	s5 =	sld [smem:$0x3FFB];
	_ =	sdelay $0x3  }
0x94: {  	_ =	strace s5  }
0x95: {  	s5 =	sld [smem:$0x3FFC];
	_ =	sdelay $0x3  }
0x96: {  	_ =	strace s5  }
0x97: {  	s5 =	sld [smem:$0x3FFD];
	_ =	sdelay $0x3  }
0x98: {  	_ =	strace s5  }
0x99: {  	_ =	strace $0x8FFFFFFF  }
0x9a: {  	s20 =	sld [smem:$0x3FDB];
	_ =	sdelay $0x1  }
0x9b: {  	s6 =	simm.s32 $_scs_section_size  }
0x9c: {  	s7 =	simm.s32 $_size__tile_overlayer_lowered;
	s8 =	simm.s32 $_tile_overlayer_lowered  }
0x9d: {  	s23 =	simm.s32 $0x1BFF;
	s22 =	sshll.u32 s8, $0x1;
	s5 =	sadd.s32 s6, s20  }
0x9e: {  	s9 =	simm.s32 $0x0;
	s21 =	sshll.u32 s7, $0x1;
	s7 =	sadd.s32 s22, s5  }
0x9f: {  	[timem:s9], [sflag:s23] =	dma.local [hbm:s7], s21  }
0xa0: {  	_ =	swait.ge [sflag:s23], s21  }
0xa1: {  	s6 =	ssub.s32 $0x0, s21;
	[sflag:s23] =	ssyncset.done $0x0  }
0xa2: {  	[sflag:s23] =	ssyncadd.s32 s6;
	_ =	sdelay $0x1  }
0xa3: {  	s24 =	simm.s32 $0x1B8B  }
0xa4: {  	_ =	swait.ge [sflag:s24], $0x1  }
0xa5: {  	[sflag:s24] =	ssyncset.done $0x0  }
0xa6: {  	s25 =	simm.s32 $0x1B8E;
	[sflag:s24] =	ssyncadd.s32 $0xFFFFFFFF  }
0xa7: {  	s26 =	simm.s32 $execute0_lowered;
	[smem:$0x3FD2] =	sst s25  }
0xa8: {  	s6 =	sshll.u32 s26, $0x1;
	_ =	strace $0x80000046;
	[dreg:$0x1] =	wrdreg $0xFFFFFFFF  }
0xa9: {  	s28 =	simm.s32 $_size_execute0_lowered;
	s5 =	sadd.s32 s5, s6;
	[dreg:$0x0] =	wrdreg $0x0  }
0xaa: {  	s6 =	sshll.u32 s28, $0x1;
	[dreg:$0x2] =	wrdreg s5  }
0xab: {  	[dreg:$0x3] =	wrdreg s6  }
0xac: {  	[dreg:$0x4] =	wrdreg $0xC0  }
0xad: {  	_ =	task [dreg:s9], $0x5FFFF  }
0xae: {  	[dreg:$0x1] =	wrdreg $0xFFFFFFFF  }
0xaf: {  	[dreg:$0x0] =	wrdreg $0x60  }
0xb0: {  	[dreg:$0x2] =	wrdreg s2  }
0xb1: {  	[dreg:$0x3] =	wrdreg s19  }
0xb2: {  	[dreg:$0x4] =	wrdreg s4  }
0xb3: {  	[dreg:$0x5] =	wrdreg $0x9  }
0xb4: {  	_ =	task.clear_ibuf [dreg:s9], $0x6FFFF;
	_ =	strace $0x90000046  }
0xb5: {  	s29 =	simm.s32 $0x9;
	_ =	strace $0x80000048  }
0xb6: {  	_ =	swait.ge [sflag:s29], $0x1  }
0xb7: {  	[sflag:s29] =	ssyncadd.s32 $0xFFFFFFFF  }
0xb8: {  	_ =	strace $0x90000048  }
0xb9: {  	_ =	sfence  }
0xba: {  	s30 =	sld [smem:$0x0];
	_ =	sdelay $0x2  }
0xbb: {  	s31 =	sshll.u32 s1, $0xD;
	s1 =	sshrl.u32 s1, $0x2  }
0xbc: {  	s3 =	sand.u32 $0x4000, s31;
	s1 =	sadd.s32 s1, s30  }
0xbd: {  	s0 =	sor.u32 s3, s0;
	s1 =	sshll.u32 s1, $0x11  }
0xbe: {  	s0 =	sor.u32 s1, s0  }
0xbf: {  	s0 =	sadd.s32 $0x8F2B, s0  }
0xc0: {  	[sflag:s0] =	ssyncadd.remote.s32 $0x1  }
0xc1: {  	_ =	sfence.sel $0xFFFF  }
0xc2: {  	[dreg:$0x0] =	wrdreg $0xFFFFFFFF;
	(pc) =	sbr.abs _section_cstart, $3  }
0xc3: {  	[dreg:$0x1] =	wrdreg $0xFFFFFFFF  }
0xc4: {  	_ =	task.clear_ibuf [dreg:s9], $0x2FFFF;
	_ =	strace $0x9FFFFFFF  }
0xc5: {  	(tm) =	ssettm $0x7FFFFFFF  }
tec
execute0_lowered:
.L_overlay_start_1:
0x0: {  	(tag) =	ssettag $0x1  }
0x1: {  	s1 =	rddreg [dreg:$0x0]  }
0x2: {  	s0 =	srdreg.scid;
	s3 =	rddreg [dreg:$0x1]  }
0x3: {  	s2 =	stileid.u32;
	s4 =	rddreg [dreg:$0x2]  }
0x4: {  	s6 =	simm.s32 $0x0;
	s21 =	simm.s32 $0x80;
	s29 =	simm.s32 $0x3  }
0x5: {  	s12 =	simm.s32 $0x8;
	s13 =	simm.s32 $0x11980;
	s17 =	simm.s32 $0x2  }
0x6: {  	s18 =	simm.s32 $0x6;
	s0 =	sand.u32 $0x1, s0;
	s2 =	sshll.u32 s2, $0x1  }
0x7: {  	s19 =	simm.s32 $0x9;
	s30 =	simm.s32 $0xC;
	s2 =	sor.u32 s0, s2  }
0x8: {  	s22 =	simm.s32 $0x0;
	s0 =	ssub.s32 $0x2, s0;
	s5 =	smul.u32 $0x2710, s2  }
0x9: {  	[smem:$0x7FF] =	sst s6;
	s7 =	sshrl.u32 s0, $0x1;
	s24 =	smul.u32 $0x27100, s2  }
0xa: {  	_ =	strace $0x80000047;
	s2 =	smul.u32 $0x138800, s2;
	s0 =	ssub.s32 s0, s7  }
0xb: {  	s8 =	sshrl.u32 s5, $0x3;
	s9 =	sadd.s32 $0xA0, s5;
	s7 =	sadd.s32 s1, s24  }
0xc: {  	s2 =	sshrl.u32 s2, $0x3;
	s14 =	sadd.s32 $0xF0, s5;
	s15 =	sadd.s32 $0x140, s5  }
0xd: {  	s16 =	sadd.s32 $0x190, s5;
	s0 =	smax.u32 s0, $0x1;
	s23 =	sadd.s32 s3, s8  }
0xe: {  	s8 =	sadd.s32 $0x50, s5;
	s11 =	sshrl.u32 s9, $0x3;
	[dreg:$0x7] =	wrdreg s7  }
0xf: {  	s2 =	sadd.s32 s4, s2;
	[dreg:$0xb] =	wrdreg s0;
	s0 =	simm.s32 $0x7  }
0x10: {  	s7 =	simm.s32 $0xF180;
	[dreg:$0x4] =	wrdreg s23;
	s25 =	sadd.s32 s3, s11  }
0x11: {  	s10 =	sshrl.u32 s8, $0x3;
	s31 =	sadd.s32 $0x26700, s2;
	[dreg:$0x6] =	wrdreg s25  }
0x12: {  	s26 =	sshll.u32 s8, $0x4;
	s2 =	sadd.s32 $0x26C00, s2;
	[dreg:$0x9] =	wrdreg s31  }
0x13: {  	s23 =	simm.s32 $0x50;
	s10 =	sadd.s32 s3, s10;
	[dreg:$0xa] =	wrdreg s2  }
0x14: {  	s11 =	simm.s32 $0x5;
	s28 =	sadd.s32 s1, s26;
	[dreg:$0x5] =	wrdreg s10  }
0x15: {  	s2 =	simm.s32 $0x4;
	[dreg:$0x8] =	wrdreg s28;
	s10 =	simm.s32 $0x1  }
.LBB2_1:
0x16: {  	[dreg:$0xc] =	wrdreg s22  }
0x17: {  	s20 =	rddreg [dreg:$0x4];
	s28 =	simm.s32 $0xD  }
0x18: {  	[tilespmem:s6], [sflag:$0xD] =	stream.linear.gather [hbm4b:s20+s6], $0x50, $0x38;
	[tilespmem:$0x16980] =	vst v63  }
0x19: {  	_ =	swait.ge [sflag:s28], $0x50  }
0x1a: {  	[sflag:s28] =	ssyncset.done $0x0  }
0x1b: {  	s24 =	rddreg [dreg:$0x5];
	[sflag:s28] =	ssyncadd.s32 $0xFFFFFFB0  }
0x1c: {  	[tilespmem:s21], [sflag:$0xD] =	stream.linear.gather [hbm4b:s24+s6], $0x50, $0x38;
	[tilespmem:$0x16980] =	vst v63  }
0x1d: {  	_ =	swait.ge [sflag:s28], $0x50  }
0x1e: {  	[sflag:s28] =	ssyncset.done $0x0  }
0x1f: {  	s26 =	simm.s32 $0x100;
	s25 =	rddreg [dreg:$0x6];
	[sflag:s28] =	ssyncadd.s32 $0xFFFFFFB0  }
0x20: {  	[tilespmem:s26], [sflag:$0x3] =	stream.linear.gather [hbm4b:s25+s6], $0x50, $0x38;
	[tilespmem:$0x16980] =	vst v63  }
0x21: {  	s28 =	simm.s32 $0x180  }
0x22: {  	[tilespmem:s28], [sflag:$0x4] =	stream.indirect.gather [hbm4b:s1+s23], $0x80, s6, s23, $0xb8;
	[tilespmem:$0x16980] =	vst v63  }
0x23: {  	s24 =	simm.s32 $0x7980;
	s22 =	rddreg [dreg:$0x7]  }
0x24: {  	[tilespmem:s24], [sflag:$0x7] =	stream.linear.gather [hbm4b:s22+s6], $0x2800, $0x38;
	[tilespmem:$0x16980] =	vst v63  }
0x25: {  	s25 =	simm.s32 $0x2980  }
0x26: {  	[tilespmem:s25], [sflag:$0x5] =	stream.indirect.gather [hbm4b:s1+s23], $0x80, s21, s23, $0xb8;
	[tilespmem:$0x16980] =	vst v63  }
0x27: {  	s31 =	simm.s32 $0x0;
	s26 =	rddreg [dreg:$0x8];
	s28 =	simm.s32 $0xA180  }
0x28: {  	[tilespmem:s28], [sflag:$0x8] =	stream.linear.gather [hbm4b:s26+s6], $0x2800, $0x38;
	[tilespmem:$0x16980] =	vst v63  }
.LBB2_2:
0x29: {  	_ =	swait.ge [sflag:s29], $0x50;
	s22 =	smul.u32 $0xF0, s31  }
0x2a: {  	s20 =	simm.s32 $0x100;
	[sflag:s29] =	ssyncset.done $0x0  }
0x2b: {  	s24 =	simm.s32 $0x5180;
	[sflag:s29] =	ssyncadd.s32 $0xFFFFFFB0;
	s25 =	sadd.s32 s22, s9  }
0x2c: {  	[tilespmem:s24], [sflag:$0x6] =	stream.indirect.gather [hbm4b:s1+s23], $0x80, s20, s23, $0xb8;
	[tilespmem:$0x16980] =	vst v63  }
0x2d: {  	s20 =	sshll.u32 s25, $0x4  }
0x2e: {  	s25 =	simm.s32 $0xC980;
	s26 =	sadd.s32 s1, s20  }
0x2f: {  	[tilespmem:s25], [sflag:$0x9] =	stream.linear.gather [hbm4b:s26+s6], $0x2800, $0x38;
	[tilespmem:$0x16980] =	vst v63  }
0x30: {  	_ =	swait.ge [sflag:s2], $0x2800  }
0x31: {  	[sflag:s2] =	ssyncset.done $0x0  }
0x32: {  	[sflag:s2] =	ssyncadd.s32 $0xFFFFD800  }
0x33: {  	s24 =	sadd.s32 s22, s14;
	_ =	swait.ge [sflag:s0], $0x2800  }
0x34: {  	s26 =	sshrl.u32 s24, $0x3;
	[sflag:s0] =	ssyncset.done $0x0  }
0x35: {  	p0 =	seq.s32 s31, $0x0;
	s25 =	sadd.s32 s3, s26;
	[sflag:s0] =	ssyncadd.s32 $0xFFFFD800  }
0x36: {  	[tilespmem:s6], [sflag:$0x1] =	stream.linear.gather [hbm4b:s25+s6], $0x50, $0x38;
	[tilespmem:$0x16980] =	vst v63  }
0x37: {  	s25 =	simm.s32 @!p0 $0xA  }
0x38: {  	_ =	swait.ge @!p0 [sflag:s25], $0x2800  }
0x39: {  	[sflag:s25] =	ssyncset.done @!p0 $0x0  }
0x3a: {  	[sflag:s25] =	ssyncadd.s32 @!p0 $0xFFFFD800;
	s25 =	simm.s32 $0x0  }
0x3b: {  	v0 =	vld [tilespmem:s25+$0x1F0]  }
0x3c: {  	v1 =	vld [tilespmem:s25+$0x79F0]  }
0x3d: {  	v2 =	vld [tilespmem:s25+$0x180]  }
0x3e: {  	v3 =	vld [tilespmem:s25+$0x7980]  }
0x3f: {  	v4 =	vld [tilespmem:s25+$0x190]  }
0x40: {  	v5 =	vld [tilespmem:s25+$0x7990]  }
0x41: {  	v6 =	vld [tilespmem:s25+$0x1A0]  }
0x42: {  	v0 =	vadd.f32 v1, v0;
	v1 =	vld [tilespmem:s25+$0x79A0]  }
0x43: {  	v7 =	vld [tilespmem:s25+$0x1B0]  }
0x44: {  	v8 =	vld [tilespmem:s25+$0x79B0];
	v2 =	vadd.f32 v3, v2;
	v0 =	vmul.f32 $5.000000000e-01, v0  }
0x45: {  	v9 =	vld [tilespmem:s25+$0x1C0]  }
0x46: {  	v10 =	vld [tilespmem:s25+$0x79C0];
	v2 =	vmul.f32 $5.000000000e-01, v2;
	[tilespmem:s25+$0xF1F0] =	vst v0;
	v0 =	vadd.f32 v5, v4  }
0x47: {  	v3 =	vld [tilespmem:s25+$0x79D0];
	v1 =	vadd.f32 v1, v6  }
0x48: {  	[tilespmem:s25+$0xF180] =	vst v2;
	v2 =	vld [tilespmem:s25+$0x1D0];
	v0 =	vmul.f32 $5.000000000e-01, v0  }
0x49: {  	v4 =	vld [tilespmem:s25+$0x79E0];
	v6 =	vadd.f32 v8, v7;
	v5 =	vmul.f32 $5.000000000e-01, v1  }
0x4a: {  	s26 =	simm.s32 $0x80;
	[tilespmem:s25+$0xF190] =	vst v0;
	v0 =	vld [tilespmem:s25+$0x1E0]  }
0x4b: {  	s28 =	simm.s32 $0x400;
	v1 =	vld [tilespmem:s26+$0x1F0];
	[tilespmem:s25+$0xF1A0] =	vst v5;
	v5 =	vmul.f32 $5.000000000e-01, v6;
	v6 =	vadd.f32 v10, v9  }
.LBB2_3:
0x4c: {  	p1 =	sne.s32 s28, $0x9E00;
	v7 =	vld [tilespmem:s26+$0x79F0]  }
0x4d: {  	v8 =	vld [tilespmem:s26+$0x180];
	[tilespmem:s25+$0xF1B0] =	vst v5;
	v5 =	vmul.f32 $5.000000000e-01, v6;
	v2 =	vadd.f32 v3, v2  }
0x4e: {  	v3 =	vld [tilespmem:s26+$0x7980]  }
0x4f: {  	v6 =	vld [tilespmem:s26+$0x190];
	[tilespmem:s25+$0xF1C0] =	vst v5;
	v2 =	vmul.f32 $5.000000000e-01, v2;
	v0 =	vadd.f32 v4, v0  }
0x50: {  	v4 =	vld [tilespmem:s26+$0x7990]  }
0x51: {  	v5 =	vld [tilespmem:s26+$0x1A0];
	v1 =	vadd.f32 v7, v1;
	[tilespmem:s25+$0xF1D0] =	vst v2;
	v0 =	vmul.f32 $5.000000000e-01, v0  }
0x52: {  	v2 =	vld [tilespmem:s26+$0x79A0]  }
0x53: {  	v3 =	vadd.f32 v3, v8;
	v7 =	vld [tilespmem:s26+$0x1B0];
	v1 =	vmul.f32 $5.000000000e-01, v1;
	[tilespmem:s25+$0xF1E0] =	vst v0;
	s25 =	smov.u32 s26  }
0x54: {  	v0 =	vld [tilespmem:s25+$0x79B0]  }
0x55: {  	v3 =	vmul.f32 $5.000000000e-01, v3;
	v4 =	vadd.f32 v4, v6;
	v6 =	vld [tilespmem:s25+$0x1C0];
	[tilespmem:s25+$0xF1F0] =	vst v1  }
0x56: {  	v8 =	vld [tilespmem:s25+$0x79C0]  }
.Ltmp0:
0x57: {  	[tilespmem:s25+$0xF180] =	vst v3;
	v1 =	vmul.f32 $5.000000000e-01, v4;
	v4 =	vadd.f32 v2, v5;
	v2 =	vld [tilespmem:s25+$0x1D0];
	(pc) =	sbr.rel @p1 .LBB2_3-.Ltmp0, $4  }
0x58: {  	v3 =	vld [tilespmem:s25+$0x79D0]  }
0x59: {  	[tilespmem:s25+$0xF190] =	vst v1;
	v5 =	vmul.f32 $5.000000000e-01, v4;
	v7 =	vadd.f32 v0, v7;
	v0 =	vld [tilespmem:s25+$0x1E0]  }
0x5a: {  	s26 =	sshra.s32 s28, $0x2;
	v4 =	vld [tilespmem:s25+$0x79E0]  }
0x5b: {  	s28 =	sadd.s32 $0x200, s28;
	v1 =	vld [tilespmem:s26+$0x1F0];
	[tilespmem:s25+$0xF1A0] =	vst v5;
	v5 =	vmul.f32 $5.000000000e-01, v7;
	v6 =	vadd.f32 v8, v6  }
0x5c: {  	v7 =	vld [tilespmem:s26+$0x79F0]  }
0x5d: {  	v8 =	vld [tilespmem:s26+$0x180];
	[tilespmem:s25+$0xF1B0] =	vst v5;
	v5 =	vmul.f32 $5.000000000e-01, v6;
	v2 =	vadd.f32 v3, v2  }
0x5e: {  	v6 =	vld [tilespmem:s26+$0x7980]  }
0x5f: {  	v3 =	vld [tilespmem:s26+$0x190];
	[tilespmem:s25+$0xF1C0] =	vst v5;
	v2 =	vmul.f32 $5.000000000e-01, v2;
	v0 =	vadd.f32 v4, v0  }
0x60: {  	v5 =	vld [tilespmem:s26+$0x7990]  }
0x61: {  	v4 =	vld [tilespmem:s26+$0x1A0];
	[tilespmem:s25+$0xF1D0] =	vst v2;
	v0 =	vmul.f32 $5.000000000e-01, v0  }
0x62: {  	v1 =	vadd.f32 v7, v1;
	v2 =	vld [tilespmem:s26+$0x79A0]  }
0x63: {  	v7 =	vld [tilespmem:s26+$0x1B0];
	[tilespmem:s25+$0xF1E0] =	vst v0  }
0x64: {  	v0 =	vadd.f32 v6, v8;
	v1 =	vmul.f32 $5.000000000e-01, v1;
	v6 =	vld [tilespmem:s26+$0x79B0]  }
0x65: {  	v8 =	vld [tilespmem:s26+$0x1C0]  }
0x66: {  	v9 =	vld [tilespmem:s26+$0x79E0];
	v0 =	vmul.f32 $5.000000000e-01, v0;
	[tilespmem:s26+$0xF1F0] =	vst v1;
	v1 =	vadd.f32 v5, v3  }
0x67: {  	v3 =	vld [tilespmem:s26+$0x79C0]  }
0x68: {  	v5 =	vld [tilespmem:s26+$0x79D0];
	[tilespmem:s26+$0xF180] =	vst v0;
	v0 =	vmul.f32 $5.000000000e-01, v1  }
0x69: {  	v1 =	vld [tilespmem:s26+$0x1D0]  }
0x6a: {  	[tilespmem:s26+$0xF190] =	vst v0;
	v0 =	vld [tilespmem:s26+$0x1E0]  }
0x6b: {  	v2 =	vadd.f32 v2, v4  }
0x6c: {  	v4 =	vadd.f32 v6, v7  }
0x6d: {  	v2 =	vmul.f32 $5.000000000e-01, v2;
	v3 =	vadd.f32 v3, v8  }
0x6e: {  	v4 =	vmul.f32 $5.000000000e-01, v4;
	v1 =	vadd.f32 v5, v1  }
0x6f: {  	[tilespmem:s26+$0xF1A0] =	vst v2;
	v2 =	vmul.f32 $5.000000000e-01, v3;
	v0 =	vadd.f32 v9, v0  }
0x70: {  	[tilespmem:s26+$0xF1B0] =	vst v4;
	v1 =	vmul.f32 $5.000000000e-01, v1  }
0x71: {  	s25 =	sadd.s32 s5, s22;
	[tilespmem:s26+$0xF1C0] =	vst v2;
	v0 =	vmul.f32 $5.000000000e-01, v0  }
0x72: {  	s25 =	sshll.u32 s25, $0x4;
	[tilespmem:s26+$0xF1D0] =	vst v1  }
0x73: {  	s25 =	sadd.s32 s4, s25;
	[tilespmem:s26+$0xF1E0] =	vst v0  }
0x74: {  	[hbm4b:s25+s6] =	stream.linear.scatter [tilespmem:s7], [sflag:$0xA], $0x2800, $0x38;
	[tilespmem:$0x16980] =	vst v63  }
0x75: {  	_ =	swait.ge [sflag:s10], $0x50  }
0x76: {  	[sflag:s10] =	ssyncset.done $0x0  }
0x77: {  	s24 =	sshll.u32 s24, $0x4;
	s26 =	simm.s32 $0x180;
	[sflag:s10] =	ssyncadd.s32 $0xFFFFFFB0  }
0x78: {  	[tilespmem:s26], [sflag:$0x4] =	stream.indirect.gather [hbm4b:s1+s23], $0x80, s6, s23, $0xb8;
	[tilespmem:$0x16980] =	vst v63  }
0x79: {  	s24 =	sadd.s32 s1, s24;
	s26 =	simm.s32 $0x7980  }
0x7a: {  	[tilespmem:s26], [sflag:$0x7] =	stream.linear.gather [hbm4b:s24+s6], $0x2800, $0x38;
	[tilespmem:$0x16980] =	vst v63  }
0x7b: {  	_ =	swait.ge [sflag:s11], $0x2800  }
0x7c: {  	[sflag:s11] =	ssyncset.done $0x0  }
0x7d: {  	[sflag:s11] =	ssyncadd.s32 $0xFFFFD800  }
0x7e: {  	s24 =	sadd.s32 s22, s15;
	_ =	swait.ge [sflag:s12], $0x2800  }
0x7f: {  	s26 =	sshrl.u32 s24, $0x3;
	[sflag:s12] =	ssyncset.done $0x0  }
0x80: {  	s25 =	sadd.s32 s3, s26;
	[sflag:s12] =	ssyncadd.s32 $0xFFFFD800  }
0x81: {  	[tilespmem:s21], [sflag:$0x2] =	stream.linear.gather [hbm4b:s25+s6], $0x50, $0x38;
	[tilespmem:$0x16980] =	vst v63  }
0x82: {  	s25 =	simm.s32 @!p0 $0xB  }
0x83: {  	_ =	swait.ge @!p0 [sflag:s25], $0x2800  }
0x84: {  	[sflag:s25] =	ssyncset.done @!p0 $0x0  }
0x85: {  	[sflag:s25] =	ssyncadd.s32 @!p0 $0xFFFFD800;
	s25 =	simm.s32 $0x0  }
0x86: {  	v0 =	vld [tilespmem:s25+$0x29F0]  }
0x87: {  	v1 =	vld [tilespmem:s25+$0xA1F0]  }
0x88: {  	v2 =	vld [tilespmem:s25+$0x2980]  }
0x89: {  	v3 =	vld [tilespmem:s25+$0xA180]  }
0x8a: {  	v4 =	vld [tilespmem:s25+$0x2990]  }
0x8b: {  	v5 =	vld [tilespmem:s25+$0xA190]  }
0x8c: {  	v6 =	vld [tilespmem:s25+$0x29A0]  }
0x8d: {  	v0 =	vadd.f32 v1, v0;
	v1 =	vld [tilespmem:s25+$0xA1A0]  }
0x8e: {  	v7 =	vld [tilespmem:s25+$0x29B0]  }
0x8f: {  	v8 =	vld [tilespmem:s25+$0xA1B0];
	v2 =	vadd.f32 v3, v2;
	v0 =	vmul.f32 $5.000000000e-01, v0  }
0x90: {  	v63 =	vld [tilespmem:s25+$0x29C0]  }
0x91: {  	v10 =	vld [tilespmem:s25+$0xA1C0];
	v2 =	vmul.f32 $5.000000000e-01, v2;
	[tilespmem:s25+$0x119F0] =	vst v0;
	v0 =	vadd.f32 v5, v4  }
0x92: {  	v3 =	vld [tilespmem:s25+$0xA1D0];
	v1 =	vadd.f32 v1, v6  }
0x93: {  	[tilespmem:s25+$0x11980] =	vst v2;
	v2 =	vld [tilespmem:s25+$0x29D0];
	v0 =	vmul.f32 $5.000000000e-01, v0  }
0x94: {  	v4 =	vld [tilespmem:s25+$0xA1E0];
	v6 =	vadd.f32 v8, v7;
	v5 =	vmul.f32 $5.000000000e-01, v1  }
0x95: {  	s26 =	simm.s32 $0x80;
	[tilespmem:s25+$0x11990] =	vst v0;
	v0 =	vld [tilespmem:s25+$0x29E0]  }
0x96: {  	s28 =	simm.s32 $0x400;
	v1 =	vld [tilespmem:s26+$0x29F0];
	[tilespmem:s25+$0x119A0] =	vst v5;
	v5 =	vmul.f32 $5.000000000e-01, v6;
	v6 =	vadd.f32 v10, v63  }
.LBB2_5:
0x97: {  	p0 =	sne.s32 s28, $0x9E00;
	v7 =	vld [tilespmem:s26+$0xA1F0]  }
0x98: {  	v8 =	vld [tilespmem:s26+$0x2980];
	[tilespmem:s25+$0x119B0] =	vst v5;
	v5 =	vmul.f32 $5.000000000e-01, v6;
	v2 =	vadd.f32 v3, v2  }
0x99: {  	v3 =	vld [tilespmem:s26+$0xA180]  }
0x9a: {  	v6 =	vld [tilespmem:s26+$0x2990];
	[tilespmem:s25+$0x119C0] =	vst v5;
	v2 =	vmul.f32 $5.000000000e-01, v2;
	v0 =	vadd.f32 v4, v0  }
0x9b: {  	v4 =	vld [tilespmem:s26+$0xA190]  }
0x9c: {  	v5 =	vld [tilespmem:s26+$0x29A0];
	v1 =	vadd.f32 v7, v1;
	[tilespmem:s25+$0x119D0] =	vst v2;
	v0 =	vmul.f32 $5.000000000e-01, v0  }
0x9d: {  	v2 =	vld [tilespmem:s26+$0xA1A0]  }
0x9e: {  	v3 =	vadd.f32 v3, v8;
	v7 =	vld [tilespmem:s26+$0x29B0];
	v1 =	vmul.f32 $5.000000000e-01, v1;
	[tilespmem:s25+$0x119E0] =	vst v0;
	s25 =	smov.u32 s26  }
0x9f: {  	v0 =	vld [tilespmem:s25+$0xA1B0]  }
0xa0: {  	v3 =	vmul.f32 $5.000000000e-01, v3;
	v4 =	vadd.f32 v4, v6;
	v6 =	vld [tilespmem:s25+$0x29C0];
	[tilespmem:s25+$0x119F0] =	vst v1  }
0xa1: {  	v8 =	vld [tilespmem:s25+$0xA1C0]  }
.Ltmp1:
0xa2: {  	[tilespmem:s25+$0x11980] =	vst v3;
	v1 =	vmul.f32 $5.000000000e-01, v4;
	v4 =	vadd.f32 v2, v5;
	v2 =	vld [tilespmem:s25+$0x29D0];
	(pc) =	sbr.rel @p0 .LBB2_5-.Ltmp1, $4  }
0xa3: {  	v3 =	vld [tilespmem:s25+$0xA1D0]  }
0xa4: {  	[tilespmem:s25+$0x11990] =	vst v1;
	v5 =	vmul.f32 $5.000000000e-01, v4;
	v7 =	vadd.f32 v0, v7;
	v0 =	vld [tilespmem:s25+$0x29E0]  }
0xa5: {  	s26 =	sshra.s32 s28, $0x2;
	v4 =	vld [tilespmem:s25+$0xA1E0]  }
0xa6: {  	s28 =	sadd.s32 $0x200, s28;
	v1 =	vld [tilespmem:s26+$0x29F0];
	[tilespmem:s25+$0x119A0] =	vst v5;
	v5 =	vmul.f32 $5.000000000e-01, v7;
	v6 =	vadd.f32 v8, v6  }
0xa7: {  	v7 =	vld [tilespmem:s26+$0xA1F0]  }
0xa8: {  	v8 =	vld [tilespmem:s26+$0x2980];
	[tilespmem:s25+$0x119B0] =	vst v5;
	v5 =	vmul.f32 $5.000000000e-01, v6;
	v2 =	vadd.f32 v3, v2  }
0xa9: {  	v6 =	vld [tilespmem:s26+$0xA180]  }
0xaa: {  	v3 =	vld [tilespmem:s26+$0x2990];
	[tilespmem:s25+$0x119C0] =	vst v5;
	v2 =	vmul.f32 $5.000000000e-01, v2;
	v0 =	vadd.f32 v4, v0  }
0xab: {  	v5 =	vld [tilespmem:s26+$0xA190]  }
0xac: {  	v4 =	vld [tilespmem:s26+$0x29A0];
	[tilespmem:s25+$0x119D0] =	vst v2;
	v0 =	vmul.f32 $5.000000000e-01, v0  }
0xad: {  	v1 =	vadd.f32 v7, v1;
	v2 =	vld [tilespmem:s26+$0xA1A0]  }
0xae: {  	v7 =	vld [tilespmem:s26+$0x29B0];
	[tilespmem:s25+$0x119E0] =	vst v0  }
0xaf: {  	v0 =	vadd.f32 v6, v8;
	v1 =	vmul.f32 $5.000000000e-01, v1;
	v6 =	vld [tilespmem:s26+$0xA1B0]  }
0xb0: {  	v8 =	vld [tilespmem:s26+$0x29C0]  }
0xb1: {  	v9 =	vld [tilespmem:s26+$0xA1E0];
	v0 =	vmul.f32 $5.000000000e-01, v0;
	[tilespmem:s26+$0x119F0] =	vst v1;
	v1 =	vadd.f32 v5, v3  }
0xb2: {  	v3 =	vld [tilespmem:s26+$0xA1C0]  }
0xb3: {  	v5 =	vld [tilespmem:s26+$0xA1D0];
	[tilespmem:s26+$0x11980] =	vst v0;
	v0 =	vmul.f32 $5.000000000e-01, v1  }
0xb4: {  	v1 =	vld [tilespmem:s26+$0x29D0]  }
0xb5: {  	[tilespmem:s26+$0x11990] =	vst v0;
	v0 =	vld [tilespmem:s26+$0x29E0]  }
0xb6: {  	v2 =	vadd.f32 v2, v4  }
0xb7: {  	v4 =	vadd.f32 v6, v7  }
0xb8: {  	v2 =	vmul.f32 $5.000000000e-01, v2;
	v3 =	vadd.f32 v3, v8  }
0xb9: {  	v4 =	vmul.f32 $5.000000000e-01, v4;
	v1 =	vadd.f32 v5, v1  }
0xba: {  	[tilespmem:s26+$0x119A0] =	vst v2;
	v2 =	vmul.f32 $5.000000000e-01, v3;
	v0 =	vadd.f32 v9, v0  }
0xbb: {  	[tilespmem:s26+$0x119B0] =	vst v4;
	v1 =	vmul.f32 $5.000000000e-01, v1  }
0xbc: {  	s28 =	sadd.s32 s22, s8;
	[tilespmem:s26+$0x119C0] =	vst v2;
	v0 =	vmul.f32 $5.000000000e-01, v0  }
0xbd: {  	s25 =	sshll.u32 s28, $0x4;
	[tilespmem:s26+$0x119D0] =	vst v1  }
0xbe: {  	s25 =	sadd.s32 s4, s25;
	[tilespmem:s26+$0x119E0] =	vst v0  }
0xbf: {  	[hbm4b:s25+s6] =	stream.linear.scatter [tilespmem:s13], [sflag:$0xB], $0x2800, $0x38;
	[tilespmem:$0x16980] =	vst v63  }
0xc0: {  	_ =	swait.ge [sflag:s17], $0x50  }
0xc1: {  	[sflag:s17] =	ssyncset.done $0x0  }
0xc2: {  	s24 =	sshll.u32 s24, $0x4;
	s26 =	simm.s32 $0x2980;
	[sflag:s17] =	ssyncadd.s32 $0xFFFFFFB0  }
0xc3: {  	[tilespmem:s26], [sflag:$0x5] =	stream.indirect.gather [hbm4b:s1+s23], $0x80, s21, s23, $0xb8;
	[tilespmem:$0x16980] =	vst v63  }
0xc4: {  	s24 =	sadd.s32 s1, s24;
	s28 =	simm.s32 $0xA180  }
0xc5: {  	[tilespmem:s28], [sflag:$0x8] =	stream.linear.gather [hbm4b:s24+s6], $0x2800, $0x38;
	[tilespmem:$0x16980] =	vst v63  }
0xc6: {  	_ =	swait.ge [sflag:s18], $0x2800  }
0xc7: {  	p0 =	seq.s32 s31, $0x28;
	[sflag:s18] =	ssyncset.done $0x0  }
0xc8: {  	s22 =	sadd.s32 @!p0 s22, s16;
	[sflag:s18] =	ssyncadd.s32 $0xFFFFD800  }
0xc9: {  	s22 =	sshrl.u32 @!p0 s22, $0x3;
	_ =	swait.ge [sflag:s19], $0x2800  }
0xca: {  	p1 =	seq.s32 @!p0 s31, $0x0;
	s22 =	sadd.s32 @!p0 s3, s22;
	[sflag:s19] =	ssyncset.done $0x0  }
0xcb: {  	s25 =	simm.s32 @!p0 $0x100;
	s24 =	simm.s32 @!p0 $0x0;
	[sflag:s19] =	ssyncadd.s32 $0xFFFFD800  }
0xcc: {  	[tilespmem:s25], [sflag:$0x3] =	stream.linear.gather @!p0 [hbm4b:s22+s24], $0x50, $0x38;
	[tilespmem:$0x16980] =	vst v63  }
0xcd: {  	p0 =	por p0, !p1  }
0xce: {  	_ =	swait.ge @p0 [sflag:s30], $0x2800  }
0xcf: {  	[sflag:s30] =	ssyncset.done @p0 $0x0  }
0xd0: {  	s22 =	simm.s32 $0x0;
	[sflag:s30] =	ssyncadd.s32 @p0 $0xFFFFD800  }
0xd1: {  	v0 =	vld [tilespmem:s22+$0x51F0]  }
0xd2: {  	v1 =	vld [tilespmem:s22+$0xC9F0]  }
0xd3: {  	v2 =	vld [tilespmem:s22+$0x5180]  }
0xd4: {  	v3 =	vld [tilespmem:s22+$0xC980]  }
0xd5: {  	v4 =	vld [tilespmem:s22+$0x5190]  }
0xd6: {  	v5 =	vld [tilespmem:s22+$0xC990]  }
0xd7: {  	v6 =	vld [tilespmem:s22+$0x51A0]  }
0xd8: {  	v0 =	vadd.f32 v1, v0;
	v1 =	vld [tilespmem:s22+$0xC9A0]  }
0xd9: {  	v7 =	vld [tilespmem:s22+$0x51B0]  }
0xda: {  	v8 =	vld [tilespmem:s22+$0xC9B0];
	v2 =	vadd.f32 v3, v2;
	v0 =	vmul.f32 $5.000000000e-01, v0  }
0xdb: {  	v63 =	vld [tilespmem:s22+$0x51C0]  }
0xdc: {  	v10 =	vld [tilespmem:s22+$0xC9C0];
	v2 =	vmul.f32 $5.000000000e-01, v2;
	[tilespmem:s22+$0x141F0] =	vst v0;
	v0 =	vadd.f32 v5, v4  }
0xdd: {  	v3 =	vld [tilespmem:s22+$0xC9D0];
	v1 =	vadd.f32 v1, v6  }
0xde: {  	[tilespmem:s22+$0x14180] =	vst v2;
	v2 =	vld [tilespmem:s22+$0x51D0];
	v0 =	vmul.f32 $5.000000000e-01, v0  }
0xdf: {  	v4 =	vld [tilespmem:s22+$0xC9E0];
	v6 =	vadd.f32 v8, v7;
	v5 =	vmul.f32 $5.000000000e-01, v1  }
0xe0: {  	s24 =	simm.s32 $0x80;
	[tilespmem:s22+$0x14190] =	vst v0;
	v0 =	vld [tilespmem:s22+$0x51E0]  }
0xe1: {  	s25 =	simm.s32 $0x400;
	v1 =	vld [tilespmem:s24+$0x51F0];
	[tilespmem:s22+$0x141A0] =	vst v5;
	v5 =	vmul.f32 $5.000000000e-01, v6;
	v6 =	vadd.f32 v10, v63  }
.LBB2_7:
0xe2: {  	p0 =	sne.s32 s25, $0x9E00;
	v7 =	vld [tilespmem:s24+$0xC9F0]  }
0xe3: {  	v8 =	vld [tilespmem:s24+$0x5180];
	[tilespmem:s22+$0x141B0] =	vst v5;
	v5 =	vmul.f32 $5.000000000e-01, v6;
	v2 =	vadd.f32 v3, v2  }
0xe4: {  	v3 =	vld [tilespmem:s24+$0xC980]  }
0xe5: {  	v6 =	vld [tilespmem:s24+$0x5190];
	[tilespmem:s22+$0x141C0] =	vst v5;
	v2 =	vmul.f32 $5.000000000e-01, v2;
	v0 =	vadd.f32 v4, v0  }
0xe6: {  	v4 =	vld [tilespmem:s24+$0xC990]  }
0xe7: {  	v5 =	vld [tilespmem:s24+$0x51A0];
	v1 =	vadd.f32 v7, v1;
	[tilespmem:s22+$0x141D0] =	vst v2;
	v0 =	vmul.f32 $5.000000000e-01, v0  }
0xe8: {  	v2 =	vld [tilespmem:s24+$0xC9A0]  }
0xe9: {  	v3 =	vadd.f32 v3, v8;
	v7 =	vld [tilespmem:s24+$0x51B0];
	v1 =	vmul.f32 $5.000000000e-01, v1;
	[tilespmem:s22+$0x141E0] =	vst v0;
	s22 =	smov.u32 s24  }
0xea: {  	v0 =	vld [tilespmem:s22+$0xC9B0]  }
0xeb: {  	v3 =	vmul.f32 $5.000000000e-01, v3;
	v4 =	vadd.f32 v4, v6;
	v6 =	vld [tilespmem:s22+$0x51C0];
	[tilespmem:s22+$0x141F0] =	vst v1  }
0xec: {  	v8 =	vld [tilespmem:s22+$0xC9C0]  }
.Ltmp2:
0xed: {  	[tilespmem:s22+$0x14180] =	vst v3;
	v1 =	vmul.f32 $5.000000000e-01, v4;
	v4 =	vadd.f32 v2, v5;
	v2 =	vld [tilespmem:s22+$0x51D0];
	(pc) =	sbr.rel @p0 .LBB2_7-.Ltmp2, $4  }
0xee: {  	v3 =	vld [tilespmem:s22+$0xC9D0]  }
0xef: {  	[tilespmem:s22+$0x14190] =	vst v1;
	v5 =	vmul.f32 $5.000000000e-01, v4;
	v7 =	vadd.f32 v0, v7;
	v0 =	vld [tilespmem:s22+$0x51E0]  }
0xf0: {  	s24 =	sshra.s32 s25, $0x2;
	v4 =	vld [tilespmem:s22+$0xC9E0]  }
0xf1: {  	s25 =	sadd.s32 $0x200, s25;
	v1 =	vld [tilespmem:s24+$0x51F0];
	[tilespmem:s22+$0x141A0] =	vst v5;
	v5 =	vmul.f32 $5.000000000e-01, v7;
	v6 =	vadd.f32 v8, v6  }
0xf2: {  	v7 =	vld [tilespmem:s24+$0xC9F0]  }
0xf3: {  	v8 =	vld [tilespmem:s24+$0x5180];
	[tilespmem:s22+$0x141B0] =	vst v5;
	v48 =	vmul.f32 $5.000000000e-01, v6;
	v2 =	vadd.f32 v3, v2  }
0xf4: {  	v49 =	vld [tilespmem:s24+$0xC980]  }
0xf5: {  	v50 =	vld [tilespmem:s24+$0x5190];
	[tilespmem:s22+$0x141C0] =	vst v48;
	v2 =	vmul.f32 $5.000000000e-01, v2;
	v0 =	vadd.f32 v4, v0  }
0xf6: {  	v5 =	vld [tilespmem:s24+$0xC990]  }
0xf7: {  	v51 =	vld [tilespmem:s24+$0x51A0];
	[tilespmem:s22+$0x141D0] =	vst v2;
	v0 =	vmul.f32 $5.000000000e-01, v0  }
0xf8: {  	v2 =	vld [tilespmem:s24+$0xC9A0]  }
0xf9: {  	v52 =	vld [tilespmem:s24+$0x51B0];
	[tilespmem:s22+$0x141E0] =	vst v0  }
0xfa: {  	v54 =	vld [tilespmem:s24+$0xC9B0]  }
0xfb: {  	v55 =	vld [tilespmem:s24+$0x51C0]  }
0xfc: {  	v57 =	vld [tilespmem:s24+$0xC9C0]  }
0xfd: {  	v59 =	vld [tilespmem:s24+$0x51D0]  }
0xfe: {  	v1 =	vadd.f32 v7, v1;
	v60 =	vld [tilespmem:s24+$0xC9D0]  }
0xff: {  	v53 =	vadd.f32 v49, v8;
	v61 =	vld [tilespmem:s24+$0x51E0]  }
0x100: {  	v1 =	vmul.f32 $5.000000000e-01, v1;
	v9 =	vld [tilespmem:s24+$0xC9E0];
	v56 =	vadd.f32 v5, v50  }
0x101: {  	v0 =	vmul.f32 $5.000000000e-01, v53;
	v2 =	vadd.f32 v2, v51  }
0x102: {  	[tilespmem:s24+$0x141F0] =	vst v1;
	v58 =	vmul.f32 $5.000000000e-01, v56;
	v62 =	vadd.f32 v54, v52  }
0x103: {  	[tilespmem:s24+$0x14180] =	vst v0;
	v2 =	vmul.f32 $5.000000000e-01, v2;
	v3 =	vadd.f32 v57, v55  }
0x104: {  	s31 =	sadd.s32 $0x1, s31;
	[tilespmem:s24+$0x14190] =	vst v58;
	v1 =	vadd.f32 v60, v59;
	v4 =	vmul.f32 $5.000000000e-01, v62  }
0x105: {  	p0 =	sne.s32 s31, $0x29;
	v0 =	vadd.f32 v9, v61;
	[tilespmem:s24+$0x141A0] =	vst v2;
	v63 =	vmul.f32 $5.000000000e-01, v3  }
.Ltmp3:
0x106: {  	v1 =	vmul.f32 $5.000000000e-01, v1;
	[tilespmem:s24+$0x141B0] =	vst v4;
	(pc) =	sbr.rel @p0 .LBB2_2-.Ltmp3, $4  }
0x107: {  	v0 =	vmul.f32 $5.000000000e-01, v0;
	[tilespmem:s24+$0x141C0] =	vst v63  }
0x108: {  	[tilespmem:s24+$0x141D0] =	vst v1  }
0x109: {  	s20 =	sadd.s32 s4, s20;
	s28 =	simm.s32 $0x14180;
	[tilespmem:s24+$0x141E0] =	vst v0  }
0x10a: {  	[hbm4b:s20+s6] =	stream.linear.scatter [tilespmem:s28], [sflag:$0xC], $0x2800, $0x38;
	[tilespmem:$0x16980] =	vst v63  }
0x10b: {  	_ =	swait.ge [sflag:s2], $0x2800  }
0x10c: {  	[sflag:s2] =	ssyncset.done $0x0  }
0x10d: {  	[sflag:s2] =	ssyncadd.s32 $0xFFFFD800  }
0x10e: {  	_ =	swait.ge [sflag:s0], $0x2800  }
0x10f: {  	[sflag:s0] =	ssyncset.done $0x0  }
0x110: {  	s25 =	simm.s32 $0xA;
	[sflag:s0] =	ssyncadd.s32 $0xFFFFD800  }
0x111: {  	_ =	swait.ge [sflag:s25], $0x2800  }
0x112: {  	[sflag:s25] =	ssyncset.done $0x0  }
0x113: {  	s20 =	simm.s32 $0x0;
	[sflag:s25] =	ssyncadd.s32 $0xFFFFD800  }
0x114: {  	v0 =	vld [tilespmem:s20+$0x1F0]  }
0x115: {  	v1 =	vld [tilespmem:s20+$0x79F0]  }
0x116: {  	v2 =	vld [tilespmem:s20+$0x180]  }
0x117: {  	v3 =	vld [tilespmem:s20+$0x7980]  }
0x118: {  	v4 =	vld [tilespmem:s20+$0x190]  }
0x119: {  	v5 =	vld [tilespmem:s20+$0x7990]  }
0x11a: {  	v6 =	vld [tilespmem:s20+$0x1A0]  }
0x11b: {  	v0 =	vadd.f32 v1, v0;
	v1 =	vld [tilespmem:s20+$0x79A0]  }
0x11c: {  	v7 =	vld [tilespmem:s20+$0x1B0]  }
0x11d: {  	v8 =	vld [tilespmem:s20+$0x79B0];
	v2 =	vadd.f32 v3, v2;
	v0 =	vmul.f32 $5.000000000e-01, v0  }
0x11e: {  	v9 =	vld [tilespmem:s20+$0x1C0]  }
0x11f: {  	v10 =	vld [tilespmem:s20+$0x79C0];
	v2 =	vmul.f32 $5.000000000e-01, v2;
	[tilespmem:s20+$0xF1F0] =	vst v0;
	v0 =	vadd.f32 v5, v4  }
0x120: {  	v3 =	vld [tilespmem:s20+$0x79D0];
	v1 =	vadd.f32 v1, v6  }
0x121: {  	[tilespmem:s20+$0xF180] =	vst v2;
	v2 =	vld [tilespmem:s20+$0x1D0];
	v0 =	vmul.f32 $5.000000000e-01, v0  }
0x122: {  	v4 =	vld [tilespmem:s20+$0x79E0];
	v6 =	vadd.f32 v8, v7;
	v5 =	vmul.f32 $5.000000000e-01, v1  }
0x123: {  	s22 =	simm.s32 $0x80;
	[tilespmem:s20+$0xF190] =	vst v0;
	v0 =	vld [tilespmem:s20+$0x1E0]  }
0x124: {  	s24 =	simm.s32 $0x400;
	v1 =	vld [tilespmem:s22+$0x1F0];
	[tilespmem:s20+$0xF1A0] =	vst v5;
	v5 =	vmul.f32 $5.000000000e-01, v6;
	v6 =	vadd.f32 v10, v9  }
.LBB2_10:
0x125: {  	p0 =	sne.s32 s24, $0x9E00;
	v7 =	vld [tilespmem:s22+$0x79F0]  }
0x126: {  	v8 =	vld [tilespmem:s22+$0x180];
	[tilespmem:s20+$0xF1B0] =	vst v5;
	v5 =	vmul.f32 $5.000000000e-01, v6;
	v2 =	vadd.f32 v3, v2  }
0x127: {  	v3 =	vld [tilespmem:s22+$0x7980]  }
0x128: {  	v6 =	vld [tilespmem:s22+$0x190];
	[tilespmem:s20+$0xF1C0] =	vst v5;
	v2 =	vmul.f32 $5.000000000e-01, v2;
	v0 =	vadd.f32 v4, v0  }
0x129: {  	v4 =	vld [tilespmem:s22+$0x7990]  }
0x12a: {  	v5 =	vld [tilespmem:s22+$0x1A0];
	v1 =	vadd.f32 v7, v1;
	[tilespmem:s20+$0xF1D0] =	vst v2;
	v0 =	vmul.f32 $5.000000000e-01, v0  }
0x12b: {  	v2 =	vld [tilespmem:s22+$0x79A0]  }
0x12c: {  	v3 =	vadd.f32 v3, v8;
	v7 =	vld [tilespmem:s22+$0x1B0];
	v1 =	vmul.f32 $5.000000000e-01, v1;
	[tilespmem:s20+$0xF1E0] =	vst v0;
	s20 =	smov.u32 s22  }
0x12d: {  	v0 =	vld [tilespmem:s20+$0x79B0]  }
0x12e: {  	v3 =	vmul.f32 $5.000000000e-01, v3;
	v4 =	vadd.f32 v4, v6;
	v6 =	vld [tilespmem:s20+$0x1C0];
	[tilespmem:s20+$0xF1F0] =	vst v1  }
0x12f: {  	v8 =	vld [tilespmem:s20+$0x79C0]  }
.Ltmp4:
0x130: {  	[tilespmem:s20+$0xF180] =	vst v3;
	v1 =	vmul.f32 $5.000000000e-01, v4;
	v4 =	vadd.f32 v2, v5;
	v2 =	vld [tilespmem:s20+$0x1D0];
	(pc) =	sbr.rel @p0 .LBB2_10-.Ltmp4, $4  }
0x131: {  	v3 =	vld [tilespmem:s20+$0x79D0]  }
0x132: {  	[tilespmem:s20+$0xF190] =	vst v1;
	v5 =	vmul.f32 $5.000000000e-01, v4;
	v7 =	vadd.f32 v0, v7;
	v0 =	vld [tilespmem:s20+$0x1E0]  }
0x133: {  	s22 =	sshra.s32 s24, $0x2;
	v4 =	vld [tilespmem:s20+$0x79E0]  }
0x134: {  	s24 =	sadd.s32 $0x200, s24;
	v1 =	vld [tilespmem:s22+$0x1F0];
	[tilespmem:s20+$0xF1A0] =	vst v5;
	v5 =	vmul.f32 $5.000000000e-01, v7;
	v6 =	vadd.f32 v8, v6  }
0x135: {  	v7 =	vld [tilespmem:s22+$0x79F0]  }
0x136: {  	v8 =	vld [tilespmem:s22+$0x180];
	[tilespmem:s20+$0xF1B0] =	vst v5;
	v5 =	vmul.f32 $5.000000000e-01, v6;
	v2 =	vadd.f32 v3, v2  }
0x137: {  	v6 =	vld [tilespmem:s22+$0x7980]  }
0x138: {  	v3 =	vld [tilespmem:s22+$0x190];
	[tilespmem:s20+$0xF1C0] =	vst v5;
	v2 =	vmul.f32 $5.000000000e-01, v2;
	v0 =	vadd.f32 v4, v0  }
0x139: {  	v5 =	vld [tilespmem:s22+$0x7990]  }
0x13a: {  	v4 =	vld [tilespmem:s22+$0x1A0];
	[tilespmem:s20+$0xF1D0] =	vst v2;
	v0 =	vmul.f32 $5.000000000e-01, v0  }
0x13b: {  	v1 =	vadd.f32 v7, v1;
	v2 =	vld [tilespmem:s22+$0x79A0]  }
0x13c: {  	v7 =	vld [tilespmem:s22+$0x1B0];
	[tilespmem:s20+$0xF1E0] =	vst v0  }
0x13d: {  	v0 =	vadd.f32 v6, v8;
	v1 =	vmul.f32 $5.000000000e-01, v1;
	v6 =	vld [tilespmem:s22+$0x79B0]  }
0x13e: {  	v8 =	vld [tilespmem:s22+$0x1C0]  }
0x13f: {  	v9 =	vld [tilespmem:s22+$0x79E0];
	v0 =	vmul.f32 $5.000000000e-01, v0;
	[tilespmem:s22+$0xF1F0] =	vst v1;
	v1 =	vadd.f32 v5, v3  }
0x140: {  	v3 =	vld [tilespmem:s22+$0x79C0]  }
0x141: {  	v5 =	vld [tilespmem:s22+$0x79D0];
	[tilespmem:s22+$0xF180] =	vst v0;
	v0 =	vmul.f32 $5.000000000e-01, v1  }
0x142: {  	v1 =	vld [tilespmem:s22+$0x1D0]  }
0x143: {  	[tilespmem:s22+$0xF190] =	vst v0;
	v0 =	vld [tilespmem:s22+$0x1E0]  }
0x144: {  	v2 =	vadd.f32 v2, v4  }
0x145: {  	v4 =	vadd.f32 v6, v7  }
0x146: {  	v2 =	vmul.f32 $5.000000000e-01, v2;
	v3 =	vadd.f32 v3, v8  }
0x147: {  	v4 =	vmul.f32 $5.000000000e-01, v4;
	v1 =	vadd.f32 v5, v1  }
0x148: {  	[tilespmem:s22+$0xF1A0] =	vst v2;
	v2 =	vmul.f32 $5.000000000e-01, v3;
	v0 =	vadd.f32 v9, v0  }
0x149: {  	[tilespmem:s22+$0xF1B0] =	vst v4;
	v1 =	vmul.f32 $5.000000000e-01, v1  }
0x14a: {  	[tilespmem:s22+$0xF1C0] =	vst v2;
	v0 =	vmul.f32 $5.000000000e-01, v0  }
0x14b: {  	[tilespmem:s22+$0xF1D0] =	vst v1  }
0x14c: {  	s28 =	simm.s32 $0x0;
	s31 =	rddreg [dreg:$0x9];
	[tilespmem:s22+$0xF1E0] =	vst v0  }
0x14d: {  	[hbm4b:s31+s28] =	stream.linear.scatter [tilespmem:s7], [sflag:$0xA], $0x2800, $0x38;
	[tilespmem:$0x16980] =	vst v63  }
0x14e: {  	_ =	swait.ge [sflag:s11], $0x2800  }
0x14f: {  	[sflag:s11] =	ssyncset.done $0x0  }
0x150: {  	[sflag:s11] =	ssyncadd.s32 $0xFFFFD800  }
0x151: {  	_ =	swait.ge [sflag:s12], $0x2800  }
0x152: {  	[sflag:s12] =	ssyncset.done $0x0  }
0x153: {  	s26 =	simm.s32 $0xB;
	[sflag:s12] =	ssyncadd.s32 $0xFFFFD800  }
0x154: {  	_ =	swait.ge [sflag:s26], $0x2800  }
0x155: {  	[sflag:s26] =	ssyncset.done $0x0  }
0x156: {  	s20 =	simm.s32 $0x0;
	[sflag:s26] =	ssyncadd.s32 $0xFFFFD800  }
0x157: {  	v0 =	vld [tilespmem:s20+$0x29F0]  }
0x158: {  	v1 =	vld [tilespmem:s20+$0xA1F0]  }
0x159: {  	v2 =	vld [tilespmem:s20+$0x2980]  }
0x15a: {  	v3 =	vld [tilespmem:s20+$0xA180]  }
0x15b: {  	v4 =	vld [tilespmem:s20+$0x2990]  }
0x15c: {  	v5 =	vld [tilespmem:s20+$0xA190]  }
0x15d: {  	v6 =	vld [tilespmem:s20+$0x29A0]  }
0x15e: {  	v0 =	vadd.f32 v1, v0;
	v1 =	vld [tilespmem:s20+$0xA1A0]  }
0x15f: {  	v7 =	vld [tilespmem:s20+$0x29B0]  }
0x160: {  	v8 =	vld [tilespmem:s20+$0xA1B0];
	v2 =	vadd.f32 v3, v2;
	v0 =	vmul.f32 $5.000000000e-01, v0  }
0x161: {  	v63 =	vld [tilespmem:s20+$0x29C0]  }
0x162: {  	v10 =	vld [tilespmem:s20+$0xA1C0];
	v2 =	vmul.f32 $5.000000000e-01, v2;
	[tilespmem:s20+$0x119F0] =	vst v0;
	v0 =	vadd.f32 v5, v4  }
0x163: {  	v3 =	vld [tilespmem:s20+$0xA1D0];
	v1 =	vadd.f32 v1, v6  }
0x164: {  	[tilespmem:s20+$0x11980] =	vst v2;
	v2 =	vld [tilespmem:s20+$0x29D0];
	v0 =	vmul.f32 $5.000000000e-01, v0  }
0x165: {  	v4 =	vld [tilespmem:s20+$0xA1E0];
	v6 =	vadd.f32 v8, v7;
	v5 =	vmul.f32 $5.000000000e-01, v1  }
0x166: {  	s22 =	simm.s32 $0x80;
	[tilespmem:s20+$0x11990] =	vst v0;
	v0 =	vld [tilespmem:s20+$0x29E0]  }
0x167: {  	s24 =	simm.s32 $0x400;
	v1 =	vld [tilespmem:s22+$0x29F0];
	[tilespmem:s20+$0x119A0] =	vst v5;
	v5 =	vmul.f32 $5.000000000e-01, v6;
	v6 =	vadd.f32 v10, v63  }
.LBB2_12:
0x168: {  	p0 =	sne.s32 s24, $0x9E00;
	v7 =	vld [tilespmem:s22+$0xA1F0]  }
0x169: {  	v8 =	vld [tilespmem:s22+$0x2980];
	[tilespmem:s20+$0x119B0] =	vst v5;
	v5 =	vmul.f32 $5.000000000e-01, v6;
	v2 =	vadd.f32 v3, v2  }
0x16a: {  	v3 =	vld [tilespmem:s22+$0xA180]  }
0x16b: {  	v6 =	vld [tilespmem:s22+$0x2990];
	[tilespmem:s20+$0x119C0] =	vst v5;
	v2 =	vmul.f32 $5.000000000e-01, v2;
	v0 =	vadd.f32 v4, v0  }
0x16c: {  	v4 =	vld [tilespmem:s22+$0xA190]  }
0x16d: {  	v5 =	vld [tilespmem:s22+$0x29A0];
	v1 =	vadd.f32 v7, v1;
	[tilespmem:s20+$0x119D0] =	vst v2;
	v0 =	vmul.f32 $5.000000000e-01, v0  }
0x16e: {  	v2 =	vld [tilespmem:s22+$0xA1A0]  }
0x16f: {  	v3 =	vadd.f32 v3, v8;
	v7 =	vld [tilespmem:s22+$0x29B0];
	v1 =	vmul.f32 $5.000000000e-01, v1;
	[tilespmem:s20+$0x119E0] =	vst v0;
	s20 =	smov.u32 s22  }
0x170: {  	v0 =	vld [tilespmem:s20+$0xA1B0]  }
0x171: {  	v3 =	vmul.f32 $5.000000000e-01, v3;
	v4 =	vadd.f32 v4, v6;
	v6 =	vld [tilespmem:s20+$0x29C0];
	[tilespmem:s20+$0x119F0] =	vst v1  }
0x172: {  	v8 =	vld [tilespmem:s20+$0xA1C0]  }
.Ltmp5:
0x173: {  	[tilespmem:s20+$0x11980] =	vst v3;
	v1 =	vmul.f32 $5.000000000e-01, v4;
	v4 =	vadd.f32 v2, v5;
	v2 =	vld [tilespmem:s20+$0x29D0];
	(pc) =	sbr.rel @p0 .LBB2_12-.Ltmp5, $4  }
0x174: {  	v3 =	vld [tilespmem:s20+$0xA1D0]  }
0x175: {  	[tilespmem:s20+$0x11990] =	vst v1;
	v5 =	vmul.f32 $5.000000000e-01, v4;
	v7 =	vadd.f32 v0, v7;
	v0 =	vld [tilespmem:s20+$0x29E0]  }
0x176: {  	s22 =	sshra.s32 s24, $0x2;
	v4 =	vld [tilespmem:s20+$0xA1E0]  }
0x177: {  	s24 =	sadd.s32 $0x200, s24;
	v1 =	vld [tilespmem:s22+$0x29F0];
	[tilespmem:s20+$0x119A0] =	vst v5;
	v5 =	vmul.f32 $5.000000000e-01, v7;
	v6 =	vadd.f32 v8, v6  }
0x178: {  	v7 =	vld [tilespmem:s22+$0xA1F0]  }
0x179: {  	v8 =	vld [tilespmem:s22+$0x2980];
	[tilespmem:s20+$0x119B0] =	vst v5;
	v48 =	vmul.f32 $5.000000000e-01, v6;
	v2 =	vadd.f32 v3, v2  }
0x17a: {  	v49 =	vld [tilespmem:s22+$0xA180]  }
0x17b: {  	v50 =	vld [tilespmem:s22+$0x2990];
	[tilespmem:s20+$0x119C0] =	vst v48;
	v2 =	vmul.f32 $5.000000000e-01, v2;
	v0 =	vadd.f32 v4, v0  }
0x17c: {  	v5 =	vld [tilespmem:s22+$0xA190]  }
0x17d: {  	v51 =	vld [tilespmem:s22+$0x29A0];
	[tilespmem:s20+$0x119D0] =	vst v2;
	v0 =	vmul.f32 $5.000000000e-01, v0  }
0x17e: {  	v2 =	vld [tilespmem:s22+$0xA1A0]  }
0x17f: {  	v52 =	vld [tilespmem:s22+$0x29B0];
	[tilespmem:s20+$0x119E0] =	vst v0  }
0x180: {  	v54 =	vld [tilespmem:s22+$0xA1B0]  }
0x181: {  	v55 =	vld [tilespmem:s22+$0x29C0]  }
0x182: {  	v57 =	vld [tilespmem:s22+$0xA1C0]  }
0x183: {  	v59 =	vld [tilespmem:s22+$0x29D0]  }
0x184: {  	v1 =	vadd.f32 v7, v1;
	v60 =	vld [tilespmem:s22+$0xA1D0]  }
0x185: {  	v53 =	vadd.f32 v49, v8;
	v61 =	vld [tilespmem:s22+$0x29E0]  }
0x186: {  	v1 =	vmul.f32 $5.000000000e-01, v1;
	v9 =	vld [tilespmem:s22+$0xA1E0];
	v56 =	vadd.f32 v5, v50  }
0x187: {  	v0 =	vmul.f32 $5.000000000e-01, v53;
	v2 =	vadd.f32 v2, v51  }
0x188: {  	[tilespmem:s22+$0x119F0] =	vst v1;
	v58 =	vmul.f32 $5.000000000e-01, v56;
	v62 =	vadd.f32 v54, v52  }
0x189: {  	[tilespmem:s22+$0x11980] =	vst v0;
	v2 =	vmul.f32 $5.000000000e-01, v2;
	v3 =	vadd.f32 v57, v55  }
0x18a: {  	[tilespmem:s22+$0x11990] =	vst v58;
	v1 =	vadd.f32 v60, v59;
	v4 =	vmul.f32 $5.000000000e-01, v62  }
0x18b: {  	v0 =	vadd.f32 v9, v61;
	[tilespmem:s22+$0x119A0] =	vst v2;
	v63 =	vmul.f32 $5.000000000e-01, v3  }
0x18c: {  	v1 =	vmul.f32 $5.000000000e-01, v1;
	[tilespmem:s22+$0x119B0] =	vst v4  }
0x18d: {  	v0 =	vmul.f32 $5.000000000e-01, v0;
	[tilespmem:s22+$0x119C0] =	vst v63  }
0x18e: {  	[tilespmem:s22+$0x119D0] =	vst v1  }
0x18f: {  	s24 =	rddreg [dreg:$0xa];
	[tilespmem:s22+$0x119E0] =	vst v0  }
0x190: {  	[hbm4b:s24+s6] =	stream.linear.scatter [tilespmem:s13], [sflag:$0xB], $0x2800, $0x38;
	[tilespmem:$0x16980] =	vst v63  }
0x191: {  	_ =	swait.ge [sflag:s30], $0x2800  }
0x192: {  	[sflag:s30] =	ssyncset.done $0x0  }
0x193: {  	[sflag:s30] =	ssyncadd.s32 $0xFFFFD800  }
0x194: {  	_ =	swait.ge [sflag:s25], $0x2800  }
0x195: {  	[sflag:s25] =	ssyncset.done $0x0  }
0x196: {  	[sflag:s25] =	ssyncadd.s32 $0xFFFFD800  }
0x197: {  	_ =	swait.ge [sflag:s26], $0x2800  }
0x198: {  	s28 =	rddreg [dreg:$0xc]  }
0x199: {  	s31 =	rddreg [dreg:$0xb];
	s22 =	sadd.s32 $0x1, s28  }
0x19a: {  	p0 =	sne.s32 s22, s31  }
.Ltmp6:
0x19b: {  	_ = 	snop;
	(pc) =	sbr.rel @p0 .LBB2_1-.Ltmp6, $3  }
0x19c: {  	_ =	sdelay $0x1  }
0x19d: {  	[sflag:s26] =	ssyncset.done $0x0  }
0x19e: {  	[sflag:s26] =	ssyncadd.s32 $0xFFFFD800  }
0x19f: {  	_ =	sfence.sel $0x180000  }
0x1a0: {  	[bflag:$0x0] =	sbarrier.arrive $0xFFFF  }
0x1a1: {  	_ =	strace $0x90000047  }
0x1a2: {  	s0 =	stileid.u32;
	[bflag:$0x2] =	sbarrier.arrive $0xFFFF  }
0x1a3: {  	p0 =	sne.s32 s0, $0x0;
	s0 =	rddreg [dreg:$0x3]  }
0x1a4: {  	s0 =	sadd.s32 @!p0 $0x100000, s0  }
0x1a5: {  	[sflag:s0] =	ssyncadd.tile.s32 @!p0 $0x1;
	_ =	shalt  }
.Lfunc_end2:
_tile_overlayer_lowered:
.L_overlay_start_2:
0x1a6: {  	(tag) =	ssettag $0x2  }
0x1a7: {  	s0 =	rddreg [dreg:$0x0];
	s2 =	stileid.u32  }
0x1a8: {  	s1 =	rddreg [dreg:$0x1];
	p0 =	sne.s32 s2, $0x0  }
0x1a9: {  	s3 =	rddreg [dreg:$0x2];
	[bflag:$0x3] =	sbarrier.arrive $0xFFFF;
	s2 =	simm.s32 @!p0 $0x1C0D  }
0x1aa: {  	[timem:s3], [sflag:s2] =	dma.local @!p0 [hbm:s0], s1  }
0x1ab: {  	s0 =	simm.s32 @!p0 $0xD  }
0x1ac: {  	_ =	swait.ge @!p0 [sflag:s0], s1  }
0x1ad: {  	s1 =	ssub.s32 @!p0 $0x0, s1;
	[sflag:s0] =	ssyncset.done @!p0 $0x0  }
0x1ae: {  	[sflag:s0] =	ssyncadd.s32 @!p0 s1  }
0x1af: {  	[bflag:$0x3] =	sbarrier.arrive $0xFFFF  }
0x1b0: {  	_ =	shalt  }

</sc_bundles>
